<compile_context>
chip_gen: v7x
topology: tpu7x:2x2x1
jax: 0.10.2.dev20260603
libtpu: 0.0.44.dev20260713+nightly
codegen_flags: <defaults>
</compile_context>

<pallas_src>
import functools

import jax
import jax.numpy as jnp
from jax import lax
from jax.experimental import pallas as pl
from jax.experimental.pallas import tpu as pltpu
from jax.experimental.pallas import tpu_sc as plsc

_NC = 2
_NS = 16
_LN = 16


def _hist_sizes(E: int, K: int, NBINS: int):
    NW = _NC * _NS
    ROWS = E // 128
    RB = ROWS // NW
    EXTRA = ROWS - RB * NW
    KR = RB + (1 if EXTRA else 0)
    HSIZE = -(-NBINS // (_NS * 128)) * (_NS * 128)
    return ROWS, RB, EXTRA, KR, HSIZE


@functools.lru_cache(maxsize=None)
def _build_hist_kernel(E: int, K: int, NBINS: int):
    NW = _NC * _NS
    R = K // 2
    ROWS, RB, EXTRA, KR, HSIZE = _hist_sizes(E, K, NBINS)
    EPW = KR * 128
    CH = HSIZE // _NS
    HROWS = HSIZE // K

    mesh = plsc.VectorSubcoreMesh(
        core_axis_name="c", subcore_axis_name="s",
        num_cores=_NC, num_subcores=_NS)

    @functools.partial(
        pl.kernel,
        out_type=jax.ShapeDtypeStruct((_NC * HSIZE,), jnp.float32),
        mesh=mesh,
        scratch_types=[
            pltpu.VMEM((EPW,), jnp.int32),
            pltpu.VMEM((EPW,), jnp.int32),
            pltpu.VMEM((2 * KR, 128), jnp.int32),
            pltpu.VMEM((RB, 128), jnp.float32),
            pltpu.VMEM_SHARED((HSIZE,), jnp.float32),
            pltpu.SemaphoreType.DMA,
        ],
    )
    def hist_kernel(ei_hbm, et_hbm, zeros_hbm, ones_hbm, out_hbm,
                    tbuf, ebuf, keys, ones_v, hist_sh, ssem):
        cid = lax.axis_index("c")
        sid = lax.axis_index("s")
        wid = cid * _NS + sid
        nrows = RB + jnp.where(wid < EXTRA, 1, 0)
        row0 = wid * RB + jnp.minimum(wid, EXTRA)
        base = pl.multiple_of(row0 * 128, 128)
        zoff = pl.multiple_of(sid * CH, 128)

        pltpu.sync_copy(zeros_hbm, hist_sh.at[pl.ds(zoff, CH)])
        pltpu.sync_copy(ones_hbm, ones_v)
        pltpu.sync_copy(et_hbm.at[pl.ds(base, RB * 128)], tbuf.at[pl.ds(0, RB * 128)])
        if EXTRA:
            @pl.when(wid < EXTRA)
            def _():
                off = pl.multiple_of(base + RB * 128, 128)
                pltpu.sync_copy(et_hbm.at[pl.ds(off, 128)],
                                tbuf.at[pl.ds(RB * 128, 128)])

        first_barrier = [True]
        for d in (0, 1):
            dbase = pl.multiple_of(d * E + base, 128)
            pltpu.sync_copy(ei_hbm.at[pl.ds(dbase, RB * 128)],
                            ebuf.at[pl.ds(0, RB * 128)])
            if EXTRA:
                @pl.when(wid < EXTRA)
                def _(d=d, dbase=dbase):
                    off = pl.multiple_of(dbase + RB * 128, 128)
                    pltpu.sync_copy(ei_hbm.at[pl.ds(off, 128)],
                                    ebuf.at[pl.ds(RB * 128, 128)])

            def row_body(j, _, d=d):
                for c in range(8):
                    off = pl.multiple_of(j * 128 + c * _LN, 8)
                    vi = ebuf[pl.ds(off, _LN)]
                    vt = tbuf[pl.ds(off, _LN)]
                    keys[d * KR + j, pl.ds(c * _LN, _LN)] = (
                        (vt + d * R) * HROWS + vi)
                return 0

            lax.fori_loop(0, nrows, row_body, 0)

            if first_barrier[0]:
                plsc.subcore_barrier()
                first_barrier[0] = False

            def scat_fire(j, _, d=d):
                pltpu.async_copy(ones_v.at[0], hist_sh.at[keys.at[d * KR + j]],
                                 ssem, add=True)
                return 0

            lax.fori_loop(0, nrows, scat_fire, 0)

        for d in (0, 1):
            def scat_drain(j, _, d=d):
                pltpu.make_async_copy(ones_v.at[0],
                                      hist_sh.at[keys.at[d * KR + j]],
                                      ssem).wait()
                return 0

            lax.fori_loop(0, nrows, scat_drain, 0)

        plsc.subcore_barrier()

        ooff = pl.multiple_of(cid * HSIZE + zoff, 128)
        pltpu.sync_copy(hist_sh.at[pl.ds(zoff, CH)], out_hbm.at[pl.ds(ooff, CH)])

    return hist_kernel


@functools.lru_cache(maxsize=None)
def _build_combine_kernel(N: int, D: int, K: int, L: int, HROWS: int,
                          BLK: int):
    grid = N // BLK
    assert grid * BLK == N and BLK % 8 == 0

    def body(c_ref, e_ref, w_ref, b_ref, o_ref):
        cb_all = jnp.transpose(c_ref[0] + c_ref[1])
        wflat = w_ref[0].reshape(K * D, D).astype(jnp.bfloat16)
        for i in range(grid):
            cb = cb_all[i * BLK:(i + 1) * BLK]
            emb = e_ref[pl.ds(i * BLK, BLK), :]
            u = (cb.astype(jnp.bfloat16)[:, :, None]
                 * emb.astype(jnp.bfloat16)[:, None, :])
            acc = jnp.dot(u.reshape(BLK, K * D), wflat,
                          preferred_element_type=jnp.float32)
            acc = acc + jnp.dot(cb, b_ref[0],
                                preferred_element_type=jnp.float32)
            tot = jnp.sum(cb, axis=1, keepdims=True)
            o_ref[pl.ds(i * BLK, BLK), :] = acc / jnp.maximum(tot, 1.0)

    return pl.pallas_call(
        body,
        grid=(1,),
        in_specs=[
            pl.BlockSpec((_NC, K, HROWS), lambda i: (0, 0, 0)),
            pl.BlockSpec((N, D), lambda i: (0, 0)),
            pl.BlockSpec((1, K, D, D), lambda i: (L - 1, 0, 0, 0)),
            pl.BlockSpec((1, K, D), lambda i: (L - 1, 0, 0)),
        ],
        out_specs=pl.BlockSpec((N, D), lambda i: (0, 0)),
        out_shape=jax.ShapeDtypeStruct((N, D), jnp.float32),
    )


def kernel(edge_index, edge_type, embeddings, W, b):
    N, D = embeddings.shape
    E = edge_index.shape[1]
    L = W.shape[0]
    K = W.shape[1]
    NBINS = N * K
    _, RB, _, _, HSIZE = _hist_sizes(E, K, NBINS)
    CH = HSIZE // _NS

    edge_flat = edge_index.reshape(2 * E)
    zeros = jnp.zeros((CH,), jnp.float32)
    ones = jnp.ones((RB, 128), jnp.float32)

    hist_fn = _build_hist_kernel(E, K, NBINS)
    flat = hist_fn(edge_flat, edge_type, zeros, ones)
    C3 = flat.reshape(_NC, K, HSIZE // K)

    out = _build_combine_kernel(N, D, K, L, HSIZE // K, 1000)(
        C3, embeddings, W, b)
    return out

# --- scband reference (transcript-rebuilt; emitter-appended) ---
"""Pipeline reference for scband-rgcnencoder-25984552141045 (READ-ONLY COPY).

The authoritative reference and input builder live on the scoring server;
editing this copy changes nothing except your own understanding.
"""

import jax, jax.numpy as jnp
import numpy as np

N = 10000
D = 128
R = 8
L = 3
E = 320000


def setup_inputs(seed: int = 0) -> dict:
    key = jax.random.key(seed)
    k0, k1, k2, k3, k4 = jax.random.split(key, 5)
    edge_index = jax.random.randint(k0, (2, E), 0, N, dtype=jnp.int32)
    edge_type = jax.random.randint(k1, (E,), 0, R, dtype=jnp.int32)
    embeddings = jax.random.uniform(k2, (N, D), dtype=jnp.float32)
    W = jax.random.uniform(k3, (L, 2 * R, D, D), dtype=jnp.float32)
    b = jax.random.uniform(k4, (L, 2 * R, D), dtype=jnp.float32)
    return {"edge_index": edge_index, "edge_type": edge_type,
            "embeddings": embeddings, "W": W, "b": b}


def reference(edge_index, edge_type, embeddings, W, b):
    # Faithful translation of RGCNEncoder.forward, including its quirks:
    #  - get_messages always reads from self.embeddings (NOT the layer output)
    #  - sources and dests are both edge_index[d][edge_type == r]
    #  - scatter_mean over concatenated messages, written into hidden[:d.max()+1]
    output = embeddings
    num_nodes = embeddings.shape[0]
    for l in range(L):
        msgs = []
        dsts = []
        wts = []
        for r in range(R):
            mask = edge_type == r
            for dd in (0, 1):
                idx = edge_index[dd]
                msg = embeddings[idx] @ W[l, r + R * dd] + b[l, r + R * dd]
                msgs.append(msg * mask.astype(msg.dtype)[:, None])
                dsts.append(idx)
                wts.append(mask.astype(jnp.int32))
        m = jnp.vstack(msgs)
        dvec = jnp.concatenate(dsts)
        wvec = jnp.concatenate(wts)
        sums = jax.ops.segment_sum(m, dvec, num_segments=num_nodes)
        counts = jax.ops.segment_sum(wvec, dvec, num_segments=num_nodes)
        mean = sums / jnp.maximum(counts, 1)[:, None].astype(m.dtype)
        hidden = jnp.zeros_like(output)
        hidden = hidden + mean
        if l + 1 < L:
            hidden = jax.nn.relu(hidden)
        output = hidden
    return output

if __name__ == "__main__":
    import jax
    _d = setup_inputs()
    print(jax.jit(kernel)(*tuple(_d.values())))

</pallas_src>

<mosaic_0001>
#map = affine_map<(d0, d1) -> (0)>
#map1 = affine_map<(d0, d1) -> (0, 0)>
module attributes {stable_mosaic.version = 14 : i64} {
  func.func @hist_kernel(%arg0: i32, %arg1: i32, %arg2: memref<640000xi32, #tpu.memory_space<hbm>>, %arg3: memref<320000xi32, #tpu.memory_space<hbm>>, %arg4: memref<10112xf32, #tpu.memory_space<hbm>>, %arg5: memref<78x128xf32, #tpu.memory_space<hbm>>, %arg6: memref<323584xf32, #tpu.memory_space<hbm>>, %arg7: memref<10112xi32, #tpu.memory_space<vmem>>, %arg8: memref<10112xi32, #tpu.memory_space<vmem>>, %arg9: memref<158x128xi32, #tpu.memory_space<vmem>>, %arg10: memref<78x128xf32, #tpu.memory_space<vmem>>, %arg11: memref<161792xf32, #tpu.memory_space<vmem_shared>>, %arg12: memref<!tpu.dma_semaphore, #tpu.memory_space<semaphore_mem>>) attributes {dimension_semantics = [#tpu.dimension_semantics<core_parallel>, #tpu.dimension_semantics<subcore_parallel>], iteration_bounds = array<i64: 2, 16>, scalar_prefetch = 0 : i64, scratch_operands = 6 : i64, tpu.core_type = #tpu.core_type<sc_vector_subcore>, window_params = [{transform_indices = #map}, {transform_indices = #map}, {transform_indices = #map}, {transform_indices = #map1}, {transform_indices = #map}]} {
    %mul3A = arith.constant 16 : i32
    %mul3A_0 = arith.muli %arg0, %mul3A : i32
    %add3A = arith.addi %mul3A_0, %arg1 : i32
    %lt3A = arith.constant 4 : i32
    %lt3A_1 = arith.cmpi slt, %add3A, %lt3A : i32
    %jit3A = arith.constant 1 : i32
    %jit3A_2 = arith.constant 0 : i32
    %select_n3A = arith.select %lt3A_1, %jit3A, %jit3A_2 : i32
    %add3A_3 = arith.constant 78 : i32
    %add3A_4 = arith.addi %add3A_3, %select_n3A : i32
    %mul3A_5 = arith.constant 78 : i32
    %mul3A_6 = arith.muli %add3A, %mul3A_5 : i32
    %min3A = arith.constant 4 : i32
    %min3A_7 = arith.minsi %add3A, %min3A : i32
    %add3A_8 = arith.addi %mul3A_6, %min3A_7 : i32
    %mul3A_9 = arith.constant 128 : i32
    %mul3A_10 = arith.muli %add3A_8, %mul3A_9 : i32
    %multiple_of3A = tpu.assume_multiple %mul3A_10, 128 : i32
    %mul3A_11 = arith.constant 10112 : i32
    %mul3A_12 = arith.muli %arg1, %mul3A_11 : i32
    %multiple_of3A_13 = tpu.assume_multiple %mul3A_12, 128 : i32
    "tpu.region"() ({
      %run_scoped3A = tpu.sem_alloc : memref<!tpu.dma_semaphore, #tpu.memory_space<semaphore_mem>>
      %dma_start3A = tpu.memref_slice %arg11[%multiple_of3A_13] : memref<161792xf32, #tpu.memory_space<vmem_shared>> -> memref<10112xf32, #tpu.memory_space<vmem_shared>>
      tpu.enqueue_dma source(%arg4 : memref<10112xf32, #tpu.memory_space<hbm>>) target(%dma_start3A : memref<10112xf32, #tpu.memory_space<vmem_shared>>) target_semaphore(%run_scoped3A : memref<!tpu.dma_semaphore, #tpu.memory_space<semaphore_mem>>)
      %dma_wait3A = tpu.memref_slice %arg11[%multiple_of3A_13] : memref<161792xf32, #tpu.memory_space<vmem_shared>> -> memref<10112xf32, #tpu.memory_space<vmem_shared>>
      tpu.wait_dma2 semaphore(%run_scoped3A : memref<!tpu.dma_semaphore, #tpu.memory_space<semaphore_mem>>) src(%arg4 : memref<10112xf32, #tpu.memory_space<hbm>>) dst(%dma_wait3A : memref<10112xf32, #tpu.memory_space<vmem_shared>>)
      tpu.yield
    }) : () -> ()
    "tpu.region"() ({
      %run_scoped3A = tpu.sem_alloc : memref<!tpu.dma_semaphore, #tpu.memory_space<semaphore_mem>>
      tpu.enqueue_dma source(%arg5 : memref<78x128xf32, #tpu.memory_space<hbm>>) target(%arg10 : memref<78x128xf32, #tpu.memory_space<vmem>>) target_semaphore(%run_scoped3A : memref<!tpu.dma_semaphore, #tpu.memory_space<semaphore_mem>>)
      tpu.wait_dma2 semaphore(%run_scoped3A : memref<!tpu.dma_semaphore, #tpu.memory_space<semaphore_mem>>) src(%arg5 : memref<78x128xf32, #tpu.memory_space<hbm>>) dst(%arg10 : memref<78x128xf32, #tpu.memory_space<vmem>>)
      tpu.yield
    }) : () -> ()
    "tpu.region"() ({
      %run_scoped3A = tpu.sem_alloc : memref<!tpu.dma_semaphore, #tpu.memory_space<semaphore_mem>>
      %dma_start3A = arith.constant 0 : i32
      %dma_start3A_109 = tpu.memref_slice %arg7[%dma_start3A] : memref<10112xi32, #tpu.memory_space<vmem>> -> memref<9984xi32, #tpu.memory_space<vmem>>
      %dma_start3A_110 = tpu.memref_slice %arg3[%multiple_of3A] : memref<320000xi32, #tpu.memory_space<hbm>> -> memref<9984xi32, #tpu.memory_space<hbm>>
      %dma_start3A_111 = arith.constant 0 : i32
      %dma_start3A_112 = tpu.memref_slice %arg7[%dma_start3A_111] : memref<10112xi32, #tpu.memory_space<vmem>> -> memref<9984xi32, #tpu.memory_space<vmem>>
      %dma_start3A_113 = tpu.memref_slice %arg3[%multiple_of3A] : memref<320000xi32, #tpu.memory_space<hbm>> -> memref<9984xi32, #tpu.memory_space<hbm>>
      tpu.enqueue_dma source(%dma_start3A_113 : memref<9984xi32, #tpu.memory_space<hbm>>) target(%dma_start3A_112 : memref<9984xi32, #tpu.memory_space<vmem>>) target_semaphore(%run_scoped3A : memref<!tpu.dma_semaphore, #tpu.memory_space<semaphore_mem>>)
      %dma_wait3A = arith.constant 0 : i32
      %dma_wait3A_114 = tpu.memref_slice %arg7[%dma_wait3A] : memref<10112xi32, #tpu.memory_space<vmem>> -> memref<9984xi32, #tpu.memory_space<vmem>>
      %dma_wait3A_115 = tpu.memref_slice %arg3[%multiple_of3A] : memref<320000xi32, #tpu.memory_space<hbm>> -> memref<9984xi32, #tpu.memory_space<hbm>>
      %dma_wait3A_116 = arith.constant 0 : i32
      %dma_wait3A_117 = tpu.memref_slice %arg7[%dma_wait3A_116] : memref<10112xi32, #tpu.memory_space<vmem>> -> memref<9984xi32, #tpu.memory_space<vmem>>
      %dma_wait3A_118 = tpu.memref_slice %arg3[%multiple_of3A] : memref<320000xi32, #tpu.memory_space<hbm>> -> memref<9984xi32, #tpu.memory_space<hbm>>
      tpu.wait_dma2 semaphore(%run_scoped3A : memref<!tpu.dma_semaphore, #tpu.memory_space<semaphore_mem>>) src(%dma_wait3A_118 : memref<9984xi32, #tpu.memory_space<hbm>>) dst(%dma_wait3A_117 : memref<9984xi32, #tpu.memory_space<vmem>>)
      tpu.yield
    }) : () -> ()
    %lt3A_14 = arith.constant 4 : i32
    %lt3A_15 = arith.cmpi slt, %add3A, %lt3A_14 : i32
    %convert_element_type3A = arith.extui %lt3A_15 : i1 to i32
    %cond3A = arith.constant 0 : i32
    %cond3A_16 = arith.cmpi ne, %convert_element_type3A, %cond3A : i32
    scf.if %cond3A_16 {
      %add3A_109 = arith.constant 9984 : i32
      %add3A_110 = arith.addi %multiple_of3A, %add3A_109 : i32
      %multiple_of3A_111 = tpu.assume_multiple %add3A_110, 128 : i32
      "tpu.region"() ({
        %run_scoped3A = tpu.sem_alloc : memref<!tpu.dma_semaphore, #tpu.memory_space<semaphore_mem>>
        %dma_start3A = arith.constant 9984 : i32
        %dma_start3A_112 = tpu.memref_slice %arg7[%dma_start3A] : memref<10112xi32, #tpu.memory_space<vmem>> -> memref<128xi32, #tpu.memory_space<vmem>>
        %dma_start3A_113 = tpu.memref_slice %arg3[%multiple_of3A_111] : memref<320000xi32, #tpu.memory_space<hbm>> -> memref<128xi32, #tpu.memory_space<hbm>>
        %dma_start3A_114 = arith.constant 9984 : i32
        %dma_start3A_115 = tpu.memref_slice %arg7[%dma_start3A_114] : memref<10112xi32, #tpu.memory_space<vmem>> -> memref<128xi32, #tpu.memory_space<vmem>>
        %dma_start3A_116 = tpu.memref_slice %arg3[%multiple_of3A_111] : memref<320000xi32, #tpu.memory_space<hbm>> -> memref<128xi32, #tpu.memory_space<hbm>>
        tpu.enqueue_dma source(%dma_start3A_116 : memref<128xi32, #tpu.memory_space<hbm>>) target(%dma_start3A_115 : memref<128xi32, #tpu.memory_space<vmem>>) target_semaphore(%run_scoped3A : memref<!tpu.dma_semaphore, #tpu.memory_space<semaphore_mem>>)
        %dma_wait3A = arith.constant 9984 : i32
        %dma_wait3A_117 = tpu.memref_slice %arg7[%dma_wait3A] : memref<10112xi32, #tpu.memory_space<vmem>> -> memref<128xi32, #tpu.memory_space<vmem>>
        %dma_wait3A_118 = tpu.memref_slice %arg3[%multiple_of3A_111] : memref<320000xi32, #tpu.memory_space<hbm>> -> memref<128xi32, #tpu.memory_space<hbm>>
        %dma_wait3A_119 = arith.constant 9984 : i32
        %dma_wait3A_120 = tpu.memref_slice %arg7[%dma_wait3A_119] : memref<10112xi32, #tpu.memory_space<vmem>> -> memref<128xi32, #tpu.memory_space<vmem>>
        %dma_wait3A_121 = tpu.memref_slice %arg3[%multiple_of3A_111] : memref<320000xi32, #tpu.memory_space<hbm>> -> memref<128xi32, #tpu.memory_space<hbm>>
        tpu.wait_dma2 semaphore(%run_scoped3A : memref<!tpu.dma_semaphore, #tpu.memory_space<semaphore_mem>>) src(%dma_wait3A_121 : memref<128xi32, #tpu.memory_space<hbm>>) dst(%dma_wait3A_120 : memref<128xi32, #tpu.memory_space<vmem>>)
        tpu.yield
      }) : () -> ()
    } else {
    }
    %add3A_17 = arith.constant 0 : i32
    %add3A_18 = arith.addi %add3A_17, %multiple_of3A : i32
    %multiple_of3A_19 = tpu.assume_multiple %add3A_18, 128 : i32
    "tpu.region"() ({
      %run_scoped3A = tpu.sem_alloc : memref<!tpu.dma_semaphore, #tpu.memory_space<semaphore_mem>>
      %dma_start3A = arith.constant 0 : i32
      %dma_start3A_109 = tpu.memref_slice %arg8[%dma_start3A] : memref<10112xi32, #tpu.memory_space<vmem>> -> memref<9984xi32, #tpu.memory_space<vmem>>
      %dma_start3A_110 = tpu.memref_slice %arg2[%multiple_of3A_19] : memref<640000xi32, #tpu.memory_space<hbm>> -> memref<9984xi32, #tpu.memory_space<hbm>>
      %dma_start3A_111 = arith.constant 0 : i32
      %dma_start3A_112 = tpu.memref_slice %arg8[%dma_start3A_111] : memref<10112xi32, #tpu.memory_space<vmem>> -> memref<9984xi32, #tpu.memory_space<vmem>>
      %dma_start3A_113 = tpu.memref_slice %arg2[%multiple_of3A_19] : memref<640000xi32, #tpu.memory_space<hbm>> -> memref<9984xi32, #tpu.memory_space<hbm>>
      tpu.enqueue_dma source(%dma_start3A_113 : memref<9984xi32, #tpu.memory_space<hbm>>) target(%dma_start3A_112 : memref<9984xi32, #tpu.memory_space<vmem>>) target_semaphore(%run_scoped3A : memref<!tpu.dma_semaphore, #tpu.memory_space<semaphore_mem>>)
      %dma_wait3A = arith.constant 0 : i32
      %dma_wait3A_114 = tpu.memref_slice %arg8[%dma_wait3A] : memref<10112xi32, #tpu.memory_space<vmem>> -> memref<9984xi32, #tpu.memory_space<vmem>>
      %dma_wait3A_115 = tpu.memref_slice %arg2[%multiple_of3A_19] : memref<640000xi32, #tpu.memory_space<hbm>> -> memref<9984xi32, #tpu.memory_space<hbm>>
      %dma_wait3A_116 = arith.constant 0 : i32
      %dma_wait3A_117 = tpu.memref_slice %arg8[%dma_wait3A_116] : memref<10112xi32, #tpu.memory_space<vmem>> -> memref<9984xi32, #tpu.memory_space<vmem>>
      %dma_wait3A_118 = tpu.memref_slice %arg2[%multiple_of3A_19] : memref<640000xi32, #tpu.memory_space<hbm>> -> memref<9984xi32, #tpu.memory_space<hbm>>
      tpu.wait_dma2 semaphore(%run_scoped3A : memref<!tpu.dma_semaphore, #tpu.memory_space<semaphore_mem>>) src(%dma_wait3A_118 : memref<9984xi32, #tpu.memory_space<hbm>>) dst(%dma_wait3A_117 : memref<9984xi32, #tpu.memory_space<vmem>>)
      tpu.yield
    }) : () -> ()
    %lt3A_20 = arith.constant 4 : i32
    %lt3A_21 = arith.cmpi slt, %add3A, %lt3A_20 : i32
    %convert_element_type3A_22 = arith.extui %lt3A_21 : i1 to i32
    %cond3A_23 = arith.constant 0 : i32
    %cond3A_24 = arith.cmpi ne, %convert_element_type3A_22, %cond3A_23 : i32
    scf.if %cond3A_24 {
      %add3A_109 = arith.constant 9984 : i32
      %add3A_110 = arith.addi %multiple_of3A_19, %add3A_109 : i32
      %multiple_of3A_111 = tpu.assume_multiple %add3A_110, 128 : i32
      "tpu.region"() ({
        %run_scoped3A = tpu.sem_alloc : memref<!tpu.dma_semaphore, #tpu.memory_space<semaphore_mem>>
        %dma_start3A = arith.constant 9984 : i32
        %dma_start3A_112 = tpu.memref_slice %arg8[%dma_start3A] : memref<10112xi32, #tpu.memory_space<vmem>> -> memref<128xi32, #tpu.memory_space<vmem>>
        %dma_start3A_113 = tpu.memref_slice %arg2[%multiple_of3A_111] : memref<640000xi32, #tpu.memory_space<hbm>> -> memref<128xi32, #tpu.memory_space<hbm>>
        %dma_start3A_114 = arith.constant 9984 : i32
        %dma_start3A_115 = tpu.memref_slice %arg8[%dma_start3A_114] : memref<10112xi32, #tpu.memory_space<vmem>> -> memref<128xi32, #tpu.memory_space<vmem>>
        %dma_start3A_116 = tpu.memref_slice %arg2[%multiple_of3A_111] : memref<640000xi32, #tpu.memory_space<hbm>> -> memref<128xi32, #tpu.memory_space<hbm>>
        tpu.enqueue_dma source(%dma_start3A_116 : memref<128xi32, #tpu.memory_space<hbm>>) target(%dma_start3A_115 : memref<128xi32, #tpu.memory_space<vmem>>) target_semaphore(%run_scoped3A : memref<!tpu.dma_semaphore, #tpu.memory_space<semaphore_mem>>)
        %dma_wait3A = arith.constant 9984 : i32
        %dma_wait3A_117 = tpu.memref_slice %arg8[%dma_wait3A] : memref<10112xi32, #tpu.memory_space<vmem>> -> memref<128xi32, #tpu.memory_space<vmem>>
        %dma_wait3A_118 = tpu.memref_slice %arg2[%multiple_of3A_111] : memref<640000xi32, #tpu.memory_space<hbm>> -> memref<128xi32, #tpu.memory_space<hbm>>
        %dma_wait3A_119 = arith.constant 9984 : i32
        %dma_wait3A_120 = tpu.memref_slice %arg8[%dma_wait3A_119] : memref<10112xi32, #tpu.memory_space<vmem>> -> memref<128xi32, #tpu.memory_space<vmem>>
        %dma_wait3A_121 = tpu.memref_slice %arg2[%multiple_of3A_111] : memref<640000xi32, #tpu.memory_space<hbm>> -> memref<128xi32, #tpu.memory_space<hbm>>
        tpu.wait_dma2 semaphore(%run_scoped3A : memref<!tpu.dma_semaphore, #tpu.memory_space<semaphore_mem>>) src(%dma_wait3A_121 : memref<128xi32, #tpu.memory_space<hbm>>) dst(%dma_wait3A_120 : memref<128xi32, #tpu.memory_space<vmem>>)
        tpu.yield
      }) : () -> ()
    } else {
    }
    %while3A = arith.constant 0 : i32
    %while3A_25 = arith.constant 0 : i32
    %while3A_26 = arith.subi %add3A_4, %while3A : i32
    %while3A_27 = arith.addi %while3A, %while3A_26 : i32
    %while3A_28 = arith.constant 1 : i32
    %while3A_29 = arith.divsi %while3A_26, %while3A_28 : i32
    %while3A_30 = arith.muli %while3A_29, %while3A_28 : i32
    %while3A_31 = arith.addi %while3A, %while3A_30 : i32
    %while3A_32 = arith.constant 1 : i32
    %while3A_33 = scf.for %while3A_109 = %while3A to %while3A_31 step %while3A_32 iter_args(%while3A_110 = %while3A_25) -> (i32)  : i32 {
      %mul3A_111 = arith.constant 128 : i32
      %mul3A_112 = arith.muli %while3A_109, %mul3A_111 : i32
      %add3A_113 = arith.constant 0 : i32
      %add3A_114 = arith.addi %mul3A_112, %add3A_113 : i32
      %multiple_of3A_115 = tpu.assume_multiple %add3A_114, 8 : i32
      %get3A = arith.index_cast %multiple_of3A_115 : i32 to index
      %get3A_116 = tpu.vector_load %arg8[%get3A] {strides = array<i32>} : memref<10112xi32, #tpu.memory_space<vmem>>, vector<16xi32>,
      %get3A_117 = vector.shape_cast %get3A_116 : vector<16xi32> to vector<16xi32>
      %get3A_118 = arith.index_cast %multiple_of3A_115 : i32 to index
      %get3A_119 = tpu.vector_load %arg7[%get3A_118] {strides = array<i32>} : memref<10112xi32, #tpu.memory_space<vmem>>, vector<16xi32>,
      %get3A_120 = vector.shape_cast %get3A_119 : vector<16xi32> to vector<16xi32>
      %add3A_121 = arith.constant 0 : i32
      %add3A_122 = vector.broadcast %add3A_121 : i32 to vector<16xi32>
      %add3A_123 = arith.addi %get3A_120, %add3A_122 : vector<16xi32>
      %mul3A_124 = arith.constant 10112 : i32
      %mul3A_125 = vector.broadcast %mul3A_124 : i32 to vector<16xi32>
      %mul3A_126 = arith.muli %add3A_123, %mul3A_125 : vector<16xi32>
      %add3A_127 = arith.addi %mul3A_126, %get3A_117 : vector<16xi32>
      %add3A_128 = arith.constant 0 : i32
      %add3A_129 = arith.addi %add3A_128, %while3A_109 : i32
      %swap3A = arith.index_cast %add3A_129 : i32 to index
      %swap3A_130 = arith.constant 0 : index
      %swap3A_131 = tpu.vector_load %arg9[%swap3A, %swap3A_130] {strides = array<i32>} : memref<158x128xi32, #tpu.memory_space<vmem>>, vector<1x16xi32>,
      %swap3A_132 = vector.shape_cast %swap3A_131 : vector<1x16xi32> to vector<16xi32>
      %swap3A_133 = vector.shape_cast %add3A_127 : vector<16xi32> to vector<1x16xi32>
      tpu.vector_store %arg9[%swap3A, %swap3A_130], %swap3A_133 {strides = array<i32>} : memref<158x128xi32, #tpu.memory_space<vmem>>, vector<1x16xi32>,
      %mul3A_134 = arith.constant 128 : i32
      %mul3A_135 = arith.muli %while3A_109, %mul3A_134 : i32
      %add3A_136 = arith.constant 16 : i32
      %add3A_137 = arith.addi %mul3A_135, %add3A_136 : i32
      %multiple_of3A_138 = tpu.assume_multiple %add3A_137, 8 : i32
      %get3A_139 = arith.index_cast %multiple_of3A_138 : i32 to index
      %get3A_140 = tpu.vector_load %arg8[%get3A_139] {strides = array<i32>} : memref<10112xi32, #tpu.memory_space<vmem>>, vector<16xi32>,
      %get3A_141 = vector.shape_cast %get3A_140 : vector<16xi32> to vector<16xi32>
      %get3A_142 = arith.index_cast %multiple_of3A_138 : i32 to index
      %get3A_143 = tpu.vector_load %arg7[%get3A_142] {strides = array<i32>} : memref<10112xi32, #tpu.memory_space<vmem>>, vector<16xi32>,
      %get3A_144 = vector.shape_cast %get3A_143 : vector<16xi32> to vector<16xi32>
      %add3A_145 = arith.constant 0 : i32
      %add3A_146 = vector.broadcast %add3A_145 : i32 to vector<16xi32>
      %add3A_147 = arith.addi %get3A_144, %add3A_146 : vector<16xi32>
      %mul3A_148 = arith.constant 10112 : i32
      %mul3A_149 = vector.broadcast %mul3A_148 : i32 to vector<16xi32>
      %mul3A_150 = arith.muli %add3A_147, %mul3A_149 : vector<16xi32>
      %add3A_151 = arith.addi %mul3A_150, %get3A_141 : vector<16xi32>
      %add3A_152 = arith.constant 0 : i32
      %add3A_153 = arith.addi %add3A_152, %while3A_109 : i32
      %swap3A_154 = arith.index_cast %add3A_153 : i32 to index
      %swap3A_155 = arith.constant 16 : index
      %swap3A_156 = tpu.vector_load %arg9[%swap3A_154, %swap3A_155] {strides = array<i32>} : memref<158x128xi32, #tpu.memory_space<vmem>>, vector<1x16xi32>,
      %swap3A_157 = vector.shape_cast %swap3A_156 : vector<1x16xi32> to vector<16xi32>
      %swap3A_158 = vector.shape_cast %add3A_151 : vector<16xi32> to vector<1x16xi32>
      tpu.vector_store %arg9[%swap3A_154, %swap3A_155], %swap3A_158 {strides = array<i32>} : memref<158x128xi32, #tpu.memory_space<vmem>>, vector<1x16xi32>,
      %mul3A_159 = arith.constant 128 : i32
      %mul3A_160 = arith.muli %while3A_109, %mul3A_159 : i32
      %add3A_161 = arith.constant 32 : i32
      %add3A_162 = arith.addi %mul3A_160, %add3A_161 : i32
      %multiple_of3A_163 = tpu.assume_multiple %add3A_162, 8 : i32
      %get3A_164 = arith.index_cast %multiple_of3A_163 : i32 to index
      %get3A_165 = tpu.vector_load %arg8[%get3A_164] {strides = array<i32>} : memref<10112xi32, #tpu.memory_space<vmem>>, vector<16xi32>,
      %get3A_166 = vector.shape_cast %get3A_165 : vector<16xi32> to vector<16xi32>
      %get3A_167 = arith.index_cast %multiple_of3A_163 : i32 to index
      %get3A_168 = tpu.vector_load %arg7[%get3A_167] {strides = array<i32>} : memref<10112xi32, #tpu.memory_space<vmem>>, vector<16xi32>,
      %get3A_169 = vector.shape_cast %get3A_168 : vector<16xi32> to vector<16xi32>
      %add3A_170 = arith.constant 0 : i32
      %add3A_171 = vector.broadcast %add3A_170 : i32 to vector<16xi32>
      %add3A_172 = arith.addi %get3A_169, %add3A_171 : vector<16xi32>
      %mul3A_173 = arith.constant 10112 : i32
      %mul3A_174 = vector.broadcast %mul3A_173 : i32 to vector<16xi32>
      %mul3A_175 = arith.muli %add3A_172, %mul3A_174 : vector<16xi32>
      %add3A_176 = arith.addi %mul3A_175, %get3A_166 : vector<16xi32>
      %add3A_177 = arith.constant 0 : i32
      %add3A_178 = arith.addi %add3A_177, %while3A_109 : i32
      %swap3A_179 = arith.index_cast %add3A_178 : i32 to index
      %swap3A_180 = arith.constant 32 : index
      %swap3A_181 = tpu.vector_load %arg9[%swap3A_179, %swap3A_180] {strides = array<i32>} : memref<158x128xi32, #tpu.memory_space<vmem>>, vector<1x16xi32>,
      %swap3A_182 = vector.shape_cast %swap3A_181 : vector<1x16xi32> to vector<16xi32>
      %swap3A_183 = vector.shape_cast %add3A_176 : vector<16xi32> to vector<1x16xi32>
      tpu.vector_store %arg9[%swap3A_179, %swap3A_180], %swap3A_183 {strides = array<i32>} : memref<158x128xi32, #tpu.memory_space<vmem>>, vector<1x16xi32>,
      %mul3A_184 = arith.constant 128 : i32
      %mul3A_185 = arith.muli %while3A_109, %mul3A_184 : i32
      %add3A_186 = arith.constant 48 : i32
      %add3A_187 = arith.addi %mul3A_185, %add3A_186 : i32
      %multiple_of3A_188 = tpu.assume_multiple %add3A_187, 8 : i32
      %get3A_189 = arith.index_cast %multiple_of3A_188 : i32 to index
      %get3A_190 = tpu.vector_load %arg8[%get3A_189] {strides = array<i32>} : memref<10112xi32, #tpu.memory_space<vmem>>, vector<16xi32>,
      %get3A_191 = vector.shape_cast %get3A_190 : vector<16xi32> to vector<16xi32>
      %get3A_192 = arith.index_cast %multiple_of3A_188 : i32 to index
      %get3A_193 = tpu.vector_load %arg7[%get3A_192] {strides = array<i32>} : memref<10112xi32, #tpu.memory_space<vmem>>, vector<16xi32>,
      %get3A_194 = vector.shape_cast %get3A_193 : vector<16xi32> to vector<16xi32>
      %add3A_195 = arith.constant 0 : i32
      %add3A_196 = vector.broadcast %add3A_195 : i32 to vector<16xi32>
      %add3A_197 = arith.addi %get3A_194, %add3A_196 : vector<16xi32>
      %mul3A_198 = arith.constant 10112 : i32
      %mul3A_199 = vector.broadcast %mul3A_198 : i32 to vector<16xi32>
      %mul3A_200 = arith.muli %add3A_197, %mul3A_199 : vector<16xi32>
      %add3A_201 = arith.addi %mul3A_200, %get3A_191 : vector<16xi32>
      %add3A_202 = arith.constant 0 : i32
      %add3A_203 = arith.addi %add3A_202, %while3A_109 : i32
      %swap3A_204 = arith.index_cast %add3A_203 : i32 to index
      %swap3A_205 = arith.constant 48 : index
      %swap3A_206 = tpu.vector_load %arg9[%swap3A_204, %swap3A_205] {strides = array<i32>} : memref<158x128xi32, #tpu.memory_space<vmem>>, vector<1x16xi32>,
      %swap3A_207 = vector.shape_cast %swap3A_206 : vector<1x16xi32> to vector<16xi32>
      %swap3A_208 = vector.shape_cast %add3A_201 : vector<16xi32> to vector<1x16xi32>
      tpu.vector_store %arg9[%swap3A_204, %swap3A_205], %swap3A_208 {strides = array<i32>} : memref<158x128xi32, #tpu.memory_space<vmem>>, vector<1x16xi32>,
      %mul3A_209 = arith.constant 128 : i32
      %mul3A_210 = arith.muli %while3A_109, %mul3A_209 : i32
      %add3A_211 = arith.constant 64 : i32
      %add3A_212 = arith.addi %mul3A_210, %add3A_211 : i32
      %multiple_of3A_213 = tpu.assume_multiple %add3A_212, 8 : i32
      %get3A_214 = arith.index_cast %multiple_of3A_213 : i32 to index
      %get3A_215 = tpu.vector_load %arg8[%get3A_214] {strides = array<i32>} : memref<10112xi32, #tpu.memory_space<vmem>>, vector<16xi32>,
      %get3A_216 = vector.shape_cast %get3A_215 : vector<16xi32> to vector<16xi32>
      %get3A_217 = arith.index_cast %multiple_of3A_213 : i32 to index
      %get3A_218 = tpu.vector_load %arg7[%get3A_217] {strides = array<i32>} : memref<10112xi32, #tpu.memory_space<vmem>>, vector<16xi32>,
      %get3A_219 = vector.shape_cast %get3A_218 : vector<16xi32> to vector<16xi32>
      %add3A_220 = arith.constant 0 : i32
      %add3A_221 = vector.broadcast %add3A_220 : i32 to vector<16xi32>
      %add3A_222 = arith.addi %get3A_219, %add3A_221 : vector<16xi32>
      %mul3A_223 = arith.constant 10112 : i32
      %mul3A_224 = vector.broadcast %mul3A_223 : i32 to vector<16xi32>
      %mul3A_225 = arith.muli %add3A_222, %mul3A_224 : vector<16xi32>
      %add3A_226 = arith.addi %mul3A_225, %get3A_216 : vector<16xi32>
      %add3A_227 = arith.constant 0 : i32
      %add3A_228 = arith.addi %add3A_227, %while3A_109 : i32
      %swap3A_229 = arith.index_cast %add3A_228 : i32 to index
      %swap3A_230 = arith.constant 64 : index
      %swap3A_231 = tpu.vector_load %arg9[%swap3A_229, %swap3A_230] {strides = array<i32>} : memref<158x128xi32, #tpu.memory_space<vmem>>, vector<1x16xi32>,
      %swap3A_232 = vector.shape_cast %swap3A_231 : vector<1x16xi32> to vector<16xi32>
      %swap3A_233 = vector.shape_cast %add3A_226 : vector<16xi32> to vector<1x16xi32>
      tpu.vector_store %arg9[%swap3A_229, %swap3A_230], %swap3A_233 {strides = array<i32>} : memref<158x128xi32, #tpu.memory_space<vmem>>, vector<1x16xi32>,
      %mul3A_234 = arith.constant 128 : i32
      %mul3A_235 = arith.muli %while3A_109, %mul3A_234 : i32
      %add3A_236 = arith.constant 80 : i32
      %add3A_237 = arith.addi %mul3A_235, %add3A_236 : i32
      %multiple_of3A_238 = tpu.assume_multiple %add3A_237, 8 : i32
      %get3A_239 = arith.index_cast %multiple_of3A_238 : i32 to index
      %get3A_240 = tpu.vector_load %arg8[%get3A_239] {strides = array<i32>} : memref<10112xi32, #tpu.memory_space<vmem>>, vector<16xi32>,
      %get3A_241 = vector.shape_cast %get3A_240 : vector<16xi32> to vector<16xi32>
      %get3A_242 = arith.index_cast %multiple_of3A_238 : i32 to index
      %get3A_243 = tpu.vector_load %arg7[%get3A_242] {strides = array<i32>} : memref<10112xi32, #tpu.memory_space<vmem>>, vector<16xi32>,
      %get3A_244 = vector.shape_cast %get3A_243 : vector<16xi32> to vector<16xi32>
      %add3A_245 = arith.constant 0 : i32
      %add3A_246 = vector.broadcast %add3A_245 : i32 to vector<16xi32>
      %add3A_247 = arith.addi %get3A_244, %add3A_246 : vector<16xi32>
      %mul3A_248 = arith.constant 10112 : i32
      %mul3A_249 = vector.broadcast %mul3A_248 : i32 to vector<16xi32>
      %mul3A_250 = arith.muli %add3A_247, %mul3A_249 : vector<16xi32>
      %add3A_251 = arith.addi %mul3A_250, %get3A_241 : vector<16xi32>
      %add3A_252 = arith.constant 0 : i32
      %add3A_253 = arith.addi %add3A_252, %while3A_109 : i32
      %swap3A_254 = arith.index_cast %add3A_253 : i32 to index
      %swap3A_255 = arith.constant 80 : index
      %swap3A_256 = tpu.vector_load %arg9[%swap3A_254, %swap3A_255] {strides = array<i32>} : memref<158x128xi32, #tpu.memory_space<vmem>>, vector<1x16xi32>,
      %swap3A_257 = vector.shape_cast %swap3A_256 : vector<1x16xi32> to vector<16xi32>
      %swap3A_258 = vector.shape_cast %add3A_251 : vector<16xi32> to vector<1x16xi32>
      tpu.vector_store %arg9[%swap3A_254, %swap3A_255], %swap3A_258 {strides = array<i32>} : memref<158x128xi32, #tpu.memory_space<vmem>>, vector<1x16xi32>,
      %mul3A_259 = arith.constant 128 : i32
      %mul3A_260 = arith.muli %while3A_109, %mul3A_259 : i32
      %add3A_261 = arith.constant 96 : i32
      %add3A_262 = arith.addi %mul3A_260, %add3A_261 : i32
      %multiple_of3A_263 = tpu.assume_multiple %add3A_262, 8 : i32
      %get3A_264 = arith.index_cast %multiple_of3A_263 : i32 to index
      %get3A_265 = tpu.vector_load %arg8[%get3A_264] {strides = array<i32>} : memref<10112xi32, #tpu.memory_space<vmem>>, vector<16xi32>,
      %get3A_266 = vector.shape_cast %get3A_265 : vector<16xi32> to vector<16xi32>
      %get3A_267 = arith.index_cast %multiple_of3A_263 : i32 to index
      %get3A_268 = tpu.vector_load %arg7[%get3A_267] {strides = array<i32>} : memref<10112xi32, #tpu.memory_space<vmem>>, vector<16xi32>,
      %get3A_269 = vector.shape_cast %get3A_268 : vector<16xi32> to vector<16xi32>
      %add3A_270 = arith.constant 0 : i32
      %add3A_271 = vector.broadcast %add3A_270 : i32 to vector<16xi32>
      %add3A_272 = arith.addi %get3A_269, %add3A_271 : vector<16xi32>
      %mul3A_273 = arith.constant 10112 : i32
      %mul3A_274 = vector.broadcast %mul3A_273 : i32 to vector<16xi32>
      %mul3A_275 = arith.muli %add3A_272, %mul3A_274 : vector<16xi32>
      %add3A_276 = arith.addi %mul3A_275, %get3A_266 : vector<16xi32>
      %add3A_277 = arith.constant 0 : i32
      %add3A_278 = arith.addi %add3A_277, %while3A_109 : i32
      %swap3A_279 = arith.index_cast %add3A_278 : i32 to index
      %swap3A_280 = arith.constant 96 : index
      %swap3A_281 = tpu.vector_load %arg9[%swap3A_279, %swap3A_280] {strides = array<i32>} : memref<158x128xi32, #tpu.memory_space<vmem>>, vector<1x16xi32>,
      %swap3A_282 = vector.shape_cast %swap3A_281 : vector<1x16xi32> to vector<16xi32>
      %swap3A_283 = vector.shape_cast %add3A_276 : vector<16xi32> to vector<1x16xi32>
      tpu.vector_store %arg9[%swap3A_279, %swap3A_280], %swap3A_283 {strides = array<i32>} : memref<158x128xi32, #tpu.memory_space<vmem>>, vector<1x16xi32>,
      %mul3A_284 = arith.constant 128 : i32
      %mul3A_285 = arith.muli %while3A_109, %mul3A_284 : i32
      %add3A_286 = arith.constant 112 : i32
      %add3A_287 = arith.addi %mul3A_285, %add3A_286 : i32
      %multiple_of3A_288 = tpu.assume_multiple %add3A_287, 8 : i32
      %get3A_289 = arith.index_cast %multiple_of3A_288 : i32 to index
      %get3A_290 = tpu.vector_load %arg8[%get3A_289] {strides = array<i32>} : memref<10112xi32, #tpu.memory_space<vmem>>, vector<16xi32>,
      %get3A_291 = vector.shape_cast %get3A_290 : vector<16xi32> to vector<16xi32>
      %get3A_292 = arith.index_cast %multiple_of3A_288 : i32 to index
      %get3A_293 = tpu.vector_load %arg7[%get3A_292] {strides = array<i32>} : memref<10112xi32, #tpu.memory_space<vmem>>, vector<16xi32>,
      %get3A_294 = vector.shape_cast %get3A_293 : vector<16xi32> to vector<16xi32>
      %add3A_295 = arith.constant 0 : i32
      %add3A_296 = vector.broadcast %add3A_295 : i32 to vector<16xi32>
      %add3A_297 = arith.addi %get3A_294, %add3A_296 : vector<16xi32>
      %mul3A_298 = arith.constant 10112 : i32
      %mul3A_299 = vector.broadcast %mul3A_298 : i32 to vector<16xi32>
      %mul3A_300 = arith.muli %add3A_297, %mul3A_299 : vector<16xi32>
      %add3A_301 = arith.addi %mul3A_300, %get3A_291 : vector<16xi32>
      %add3A_302 = arith.constant 0 : i32
      %add3A_303 = arith.addi %add3A_302, %while3A_109 : i32
      %swap3A_304 = arith.index_cast %add3A_303 : i32 to index
      %swap3A_305 = arith.constant 112 : index
      %swap3A_306 = tpu.vector_load %arg9[%swap3A_304, %swap3A_305] {strides = array<i32>} : memref<158x128xi32, #tpu.memory_space<vmem>>, vector<1x16xi32>,
      %swap3A_307 = vector.shape_cast %swap3A_306 : vector<1x16xi32> to vector<16xi32>
      %swap3A_308 = vector.shape_cast %add3A_301 : vector<16xi32> to vector<1x16xi32>
      tpu.vector_store %arg9[%swap3A_304, %swap3A_305], %swap3A_308 {strides = array<i32>} : memref<158x128xi32, #tpu.memory_space<vmem>>, vector<1x16xi32>,
      %while3A_309 = arith.constant 0 : i32
      scf.yield %while3A_309 : i32
    }
    %while3A_34 = arith.constant 1 : i32
    %while3A_35 = scf.for %while3A_109 = %while3A_31 to %while3A_27 step %while3A_34 iter_args(%while3A_110 = %while3A_33) -> (i32)  : i32 {
      %mul3A_111 = arith.constant 128 : i32
      %mul3A_112 = arith.muli %while3A_109, %mul3A_111 : i32
      %add3A_113 = arith.constant 0 : i32
      %add3A_114 = arith.addi %mul3A_112, %add3A_113 : i32
      %multiple_of3A_115 = tpu.assume_multiple %add3A_114, 8 : i32
      %get3A = arith.index_cast %multiple_of3A_115 : i32 to index
      %get3A_116 = tpu.vector_load %arg8[%get3A] {strides = array<i32>} : memref<10112xi32, #tpu.memory_space<vmem>>, vector<16xi32>,
      %get3A_117 = vector.shape_cast %get3A_116 : vector<16xi32> to vector<16xi32>
      %get3A_118 = arith.index_cast %multiple_of3A_115 : i32 to index
      %get3A_119 = tpu.vector_load %arg7[%get3A_118] {strides = array<i32>} : memref<10112xi32, #tpu.memory_space<vmem>>, vector<16xi32>,
      %get3A_120 = vector.shape_cast %get3A_119 : vector<16xi32> to vector<16xi32>
      %add3A_121 = arith.constant 0 : i32
      %add3A_122 = vector.broadcast %add3A_121 : i32 to vector<16xi32>
      %add3A_123 = arith.addi %get3A_120, %add3A_122 : vector<16xi32>
      %mul3A_124 = arith.constant 10112 : i32
      %mul3A_125 = vector.broadcast %mul3A_124 : i32 to vector<16xi32>
      %mul3A_126 = arith.muli %add3A_123, %mul3A_125 : vector<16xi32>
      %add3A_127 = arith.addi %mul3A_126, %get3A_117 : vector<16xi32>
      %add3A_128 = arith.constant 0 : i32
      %add3A_129 = arith.addi %add3A_128, %while3A_109 : i32
      %swap3A = arith.index_cast %add3A_129 : i32 to index
      %swap3A_130 = arith.constant 0 : index
      %swap3A_131 = tpu.vector_load %arg9[%swap3A, %swap3A_130] {strides = array<i32>} : memref<158x128xi32, #tpu.memory_space<vmem>>, vector<1x16xi32>,
      %swap3A_132 = vector.shape_cast %swap3A_131 : vector<1x16xi32> to vector<16xi32>
      %swap3A_133 = vector.shape_cast %add3A_127 : vector<16xi32> to vector<1x16xi32>
      tpu.vector_store %arg9[%swap3A, %swap3A_130], %swap3A_133 {strides = array<i32>} : memref<158x128xi32, #tpu.memory_space<vmem>>, vector<1x16xi32>,
      %mul3A_134 = arith.constant 128 : i32
      %mul3A_135 = arith.muli %while3A_109, %mul3A_134 : i32
      %add3A_136 = arith.constant 16 : i32
      %add3A_137 = arith.addi %mul3A_135, %add3A_136 : i32
      %multiple_of3A_138 = tpu.assume_multiple %add3A_137, 8 : i32
      %get3A_139 = arith.index_cast %multiple_of3A_138 : i32 to index
      %get3A_140 = tpu.vector_load %arg8[%get3A_139] {strides = array<i32>} : memref<10112xi32, #tpu.memory_space<vmem>>, vector<16xi32>,
      %get3A_141 = vector.shape_cast %get3A_140 : vector<16xi32> to vector<16xi32>
      %get3A_142 = arith.index_cast %multiple_of3A_138 : i32 to index
      %get3A_143 = tpu.vector_load %arg7[%get3A_142] {strides = array<i32>} : memref<10112xi32, #tpu.memory_space<vmem>>, vector<16xi32>,
      %get3A_144 = vector.shape_cast %get3A_143 : vector<16xi32> to vector<16xi32>
      %add3A_145 = arith.constant 0 : i32
      %add3A_146 = vector.broadcast %add3A_145 : i32 to vector<16xi32>
      %add3A_147 = arith.addi %get3A_144, %add3A_146 : vector<16xi32>
      %mul3A_148 = arith.constant 10112 : i32
      %mul3A_149 = vector.broadcast %mul3A_148 : i32 to vector<16xi32>
      %mul3A_150 = arith.muli %add3A_147, %mul3A_149 : vector<16xi32>
      %add3A_151 = arith.addi %mul3A_150, %get3A_141 : vector<16xi32>
      %add3A_152 = arith.constant 0 : i32
      %add3A_153 = arith.addi %add3A_152, %while3A_109 : i32
      %swap3A_154 = arith.index_cast %add3A_153 : i32 to index
      %swap3A_155 = arith.constant 16 : index
      %swap3A_156 = tpu.vector_load %arg9[%swap3A_154, %swap3A_155] {strides = array<i32>} : memref<158x128xi32, #tpu.memory_space<vmem>>, vector<1x16xi32>,
      %swap3A_157 = vector.shape_cast %swap3A_156 : vector<1x16xi32> to vector<16xi32>
      %swap3A_158 = vector.shape_cast %add3A_151 : vector<16xi32> to vector<1x16xi32>
      tpu.vector_store %arg9[%swap3A_154, %swap3A_155], %swap3A_158 {strides = array<i32>} : memref<158x128xi32, #tpu.memory_space<vmem>>, vector<1x16xi32>,
      %mul3A_159 = arith.constant 128 : i32
      %mul3A_160 = arith.muli %while3A_109, %mul3A_159 : i32
      %add3A_161 = arith.constant 32 : i32
      %add3A_162 = arith.addi %mul3A_160, %add3A_161 : i32
      %multiple_of3A_163 = tpu.assume_multiple %add3A_162, 8 : i32
      %get3A_164 = arith.index_cast %multiple_of3A_163 : i32 to index
      %get3A_165 = tpu.vector_load %arg8[%get3A_164] {strides = array<i32>} : memref<10112xi32, #tpu.memory_space<vmem>>, vector<16xi32>,
      %get3A_166 = vector.shape_cast %get3A_165 : vector<16xi32> to vector<16xi32>
      %get3A_167 = arith.index_cast %multiple_of3A_163 : i32 to index
      %get3A_168 = tpu.vector_load %arg7[%get3A_167] {strides = array<i32>} : memref<10112xi32, #tpu.memory_space<vmem>>, vector<16xi32>,
      %get3A_169 = vector.shape_cast %get3A_168 : vector<16xi32> to vector<16xi32>
      %add3A_170 = arith.constant 0 : i32
      %add3A_171 = vector.broadcast %add3A_170 : i32 to vector<16xi32>
      %add3A_172 = arith.addi %get3A_169, %add3A_171 : vector<16xi32>
      %mul3A_173 = arith.constant 10112 : i32
      %mul3A_174 = vector.broadcast %mul3A_173 : i32 to vector<16xi32>
      %mul3A_175 = arith.muli %add3A_172, %mul3A_174 : vector<16xi32>
      %add3A_176 = arith.addi %mul3A_175, %get3A_166 : vector<16xi32>
      %add3A_177 = arith.constant 0 : i32
      %add3A_178 = arith.addi %add3A_177, %while3A_109 : i32
      %swap3A_179 = arith.index_cast %add3A_178 : i32 to index
      %swap3A_180 = arith.constant 32 : index
      %swap3A_181 = tpu.vector_load %arg9[%swap3A_179, %swap3A_180] {strides = array<i32>} : memref<158x128xi32, #tpu.memory_space<vmem>>, vector<1x16xi32>,
      %swap3A_182 = vector.shape_cast %swap3A_181 : vector<1x16xi32> to vector<16xi32>
      %swap3A_183 = vector.shape_cast %add3A_176 : vector<16xi32> to vector<1x16xi32>
      tpu.vector_store %arg9[%swap3A_179, %swap3A_180], %swap3A_183 {strides = array<i32>} : memref<158x128xi32, #tpu.memory_space<vmem>>, vector<1x16xi32>,
      %mul3A_184 = arith.constant 128 : i32
      %mul3A_185 = arith.muli %while3A_109, %mul3A_184 : i32
      %add3A_186 = arith.constant 48 : i32
      %add3A_187 = arith.addi %mul3A_185, %add3A_186 : i32
      %multiple_of3A_188 = tpu.assume_multiple %add3A_187, 8 : i32
      %get3A_189 = arith.index_cast %multiple_of3A_188 : i32 to index
      %get3A_190 = tpu.vector_load %arg8[%get3A_189] {strides = array<i32>} : memref<10112xi32, #tpu.memory_space<vmem>>, vector<16xi32>,
      %get3A_191 = vector.shape_cast %get3A_190 : vector<16xi32> to vector<16xi32>
      %get3A_192 = arith.index_cast %multiple_of3A_188 : i32 to index
      %get3A_193 = tpu.vector_load %arg7[%get3A_192] {strides = array<i32>} : memref<10112xi32, #tpu.memory_space<vmem>>, vector<16xi32>,
      %get3A_194 = vector.shape_cast %get3A_193 : vector<16xi32> to vector<16xi32>
      %add3A_195 = arith.constant 0 : i32
      %add3A_196 = vector.broadcast %add3A_195 : i32 to vector<16xi32>
      %add3A_197 = arith.addi %get3A_194, %add3A_196 : vector<16xi32>
      %mul3A_198 = arith.constant 10112 : i32
      %mul3A_199 = vector.broadcast %mul3A_198 : i32 to vector<16xi32>
      %mul3A_200 = arith.muli %add3A_197, %mul3A_199 : vector<16xi32>
      %add3A_201 = arith.addi %mul3A_200, %get3A_191 : vector<16xi32>
      %add3A_202 = arith.constant 0 : i32
      %add3A_203 = arith.addi %add3A_202, %while3A_109 : i32
      %swap3A_204 = arith.index_cast %add3A_203 : i32 to index
      %swap3A_205 = arith.constant 48 : index
      %swap3A_206 = tpu.vector_load %arg9[%swap3A_204, %swap3A_205] {strides = array<i32>} : memref<158x128xi32, #tpu.memory_space<vmem>>, vector<1x16xi32>,
      %swap3A_207 = vector.shape_cast %swap3A_206 : vector<1x16xi32> to vector<16xi32>
      %swap3A_208 = vector.shape_cast %add3A_201 : vector<16xi32> to vector<1x16xi32>
      tpu.vector_store %arg9[%swap3A_204, %swap3A_205], %swap3A_208 {strides = array<i32>} : memref<158x128xi32, #tpu.memory_space<vmem>>, vector<1x16xi32>,
      %mul3A_209 = arith.constant 128 : i32
      %mul3A_210 = arith.muli %while3A_109, %mul3A_209 : i32
      %add3A_211 = arith.constant 64 : i32
      %add3A_212 = arith.addi %mul3A_210, %add3A_211 : i32
      %multiple_of3A_213 = tpu.assume_multiple %add3A_212, 8 : i32
      %get3A_214 = arith.index_cast %multiple_of3A_213 : i32 to index
      %get3A_215 = tpu.vector_load %arg8[%get3A_214] {strides = array<i32>} : memref<10112xi32, #tpu.memory_space<vmem>>, vector<16xi32>,
      %get3A_216 = vector.shape_cast %get3A_215 : vector<16xi32> to vector<16xi32>
      %get3A_217 = arith.index_cast %multiple_of3A_213 : i32 to index
      %get3A_218 = tpu.vector_load %arg7[%get3A_217] {strides = array<i32>} : memref<10112xi32, #tpu.memory_space<vmem>>, vector<16xi32>,
      %get3A_219 = vector.shape_cast %get3A_218 : vector<16xi32> to vector<16xi32>
      %add3A_220 = arith.constant 0 : i32
      %add3A_221 = vector.broadcast %add3A_220 : i32 to vector<16xi32>
      %add3A_222 = arith.addi %get3A_219, %add3A_221 : vector<16xi32>
      %mul3A_223 = arith.constant 10112 : i32
      %mul3A_224 = vector.broadcast %mul3A_223 : i32 to vector<16xi32>
      %mul3A_225 = arith.muli %add3A_222, %mul3A_224 : vector<16xi32>
      %add3A_226 = arith.addi %mul3A_225, %get3A_216 : vector<16xi32>
      %add3A_227 = arith.constant 0 : i32
      %add3A_228 = arith.addi %add3A_227, %while3A_109 : i32
      %swap3A_229 = arith.index_cast %add3A_228 : i32 to index
      %swap3A_230 = arith.constant 64 : index
      %swap3A_231 = tpu.vector_load %arg9[%swap3A_229, %swap3A_230] {strides = array<i32>} : memref<158x128xi32, #tpu.memory_space<vmem>>, vector<1x16xi32>,
      %swap3A_232 = vector.shape_cast %swap3A_231 : vector<1x16xi32> to vector<16xi32>
      %swap3A_233 = vector.shape_cast %add3A_226 : vector<16xi32> to vector<1x16xi32>
      tpu.vector_store %arg9[%swap3A_229, %swap3A_230], %swap3A_233 {strides = array<i32>} : memref<158x128xi32, #tpu.memory_space<vmem>>, vector<1x16xi32>,
      %mul3A_234 = arith.constant 128 : i32
      %mul3A_235 = arith.muli %while3A_109, %mul3A_234 : i32
      %add3A_236 = arith.constant 80 : i32
      %add3A_237 = arith.addi %mul3A_235, %add3A_236 : i32
      %multiple_of3A_238 = tpu.assume_multiple %add3A_237, 8 : i32
      %get3A_239 = arith.index_cast %multiple_of3A_238 : i32 to index
      %get3A_240 = tpu.vector_load %arg8[%get3A_239] {strides = array<i32>} : memref<10112xi32, #tpu.memory_space<vmem>>, vector<16xi32>,
      %get3A_241 = vector.shape_cast %get3A_240 : vector<16xi32> to vector<16xi32>
      %get3A_242 = arith.index_cast %multiple_of3A_238 : i32 to index
      %get3A_243 = tpu.vector_load %arg7[%get3A_242] {strides = array<i32>} : memref<10112xi32, #tpu.memory_space<vmem>>, vector<16xi32>,
      %get3A_244 = vector.shape_cast %get3A_243 : vector<16xi32> to vector<16xi32>
      %add3A_245 = arith.constant 0 : i32
      %add3A_246 = vector.broadcast %add3A_245 : i32 to vector<16xi32>
      %add3A_247 = arith.addi %get3A_244, %add3A_246 : vector<16xi32>
      %mul3A_248 = arith.constant 10112 : i32
      %mul3A_249 = vector.broadcast %mul3A_248 : i32 to vector<16xi32>
      %mul3A_250 = arith.muli %add3A_247, %mul3A_249 : vector<16xi32>
      %add3A_251 = arith.addi %mul3A_250, %get3A_241 : vector<16xi32>
      %add3A_252 = arith.constant 0 : i32
      %add3A_253 = arith.addi %add3A_252, %while3A_109 : i32
      %swap3A_254 = arith.index_cast %add3A_253 : i32 to index
      %swap3A_255 = arith.constant 80 : index
      %swap3A_256 = tpu.vector_load %arg9[%swap3A_254, %swap3A_255] {strides = array<i32>} : memref<158x128xi32, #tpu.memory_space<vmem>>, vector<1x16xi32>,
      %swap3A_257 = vector.shape_cast %swap3A_256 : vector<1x16xi32> to vector<16xi32>
      %swap3A_258 = vector.shape_cast %add3A_251 : vector<16xi32> to vector<1x16xi32>
      tpu.vector_store %arg9[%swap3A_254, %swap3A_255], %swap3A_258 {strides = array<i32>} : memref<158x128xi32, #tpu.memory_space<vmem>>, vector<1x16xi32>,
      %mul3A_259 = arith.constant 128 : i32
      %mul3A_260 = arith.muli %while3A_109, %mul3A_259 : i32
      %add3A_261 = arith.constant 96 : i32
      %add3A_262 = arith.addi %mul3A_260, %add3A_261 : i32
      %multiple_of3A_263 = tpu.assume_multiple %add3A_262, 8 : i32
      %get3A_264 = arith.index_cast %multiple_of3A_263 : i32 to index
      %get3A_265 = tpu.vector_load %arg8[%get3A_264] {strides = array<i32>} : memref<10112xi32, #tpu.memory_space<vmem>>, vector<16xi32>,
      %get3A_266 = vector.shape_cast %get3A_265 : vector<16xi32> to vector<16xi32>
      %get3A_267 = arith.index_cast %multiple_of3A_263 : i32 to index
      %get3A_268 = tpu.vector_load %arg7[%get3A_267] {strides = array<i32>} : memref<10112xi32, #tpu.memory_space<vmem>>, vector<16xi32>,
      %get3A_269 = vector.shape_cast %get3A_268 : vector<16xi32> to vector<16xi32>
      %add3A_270 = arith.constant 0 : i32
      %add3A_271 = vector.broadcast %add3A_270 : i32 to vector<16xi32>
      %add3A_272 = arith.addi %get3A_269, %add3A_271 : vector<16xi32>
      %mul3A_273 = arith.constant 10112 : i32
      %mul3A_274 = vector.broadcast %mul3A_273 : i32 to vector<16xi32>
      %mul3A_275 = arith.muli %add3A_272, %mul3A_274 : vector<16xi32>
      %add3A_276 = arith.addi %mul3A_275, %get3A_266 : vector<16xi32>
      %add3A_277 = arith.constant 0 : i32
      %add3A_278 = arith.addi %add3A_277, %while3A_109 : i32
      %swap3A_279 = arith.index_cast %add3A_278 : i32 to index
      %swap3A_280 = arith.constant 96 : index
      %swap3A_281 = tpu.vector_load %arg9[%swap3A_279, %swap3A_280] {strides = array<i32>} : memref<158x128xi32, #tpu.memory_space<vmem>>, vector<1x16xi32>,
      %swap3A_282 = vector.shape_cast %swap3A_281 : vector<1x16xi32> to vector<16xi32>
      %swap3A_283 = vector.shape_cast %add3A_276 : vector<16xi32> to vector<1x16xi32>
      tpu.vector_store %arg9[%swap3A_279, %swap3A_280], %swap3A_283 {strides = array<i32>} : memref<158x128xi32, #tpu.memory_space<vmem>>, vector<1x16xi32>,
      %mul3A_284 = arith.constant 128 : i32
      %mul3A_285 = arith.muli %while3A_109, %mul3A_284 : i32
      %add3A_286 = arith.constant 112 : i32
      %add3A_287 = arith.addi %mul3A_285, %add3A_286 : i32
      %multiple_of3A_288 = tpu.assume_multiple %add3A_287, 8 : i32
      %get3A_289 = arith.index_cast %multiple_of3A_288 : i32 to index
      %get3A_290 = tpu.vector_load %arg8[%get3A_289] {strides = array<i32>} : memref<10112xi32, #tpu.memory_space<vmem>>, vector<16xi32>,
      %get3A_291 = vector.shape_cast %get3A_290 : vector<16xi32> to vector<16xi32>
      %get3A_292 = arith.index_cast %multiple_of3A_288 : i32 to index
      %get3A_293 = tpu.vector_load %arg7[%get3A_292] {strides = array<i32>} : memref<10112xi32, #tpu.memory_space<vmem>>, vector<16xi32>,
      %get3A_294 = vector.shape_cast %get3A_293 : vector<16xi32> to vector<16xi32>
      %add3A_295 = arith.constant 0 : i32
      %add3A_296 = vector.broadcast %add3A_295 : i32 to vector<16xi32>
      %add3A_297 = arith.addi %get3A_294, %add3A_296 : vector<16xi32>
      %mul3A_298 = arith.constant 10112 : i32
      %mul3A_299 = vector.broadcast %mul3A_298 : i32 to vector<16xi32>
      %mul3A_300 = arith.muli %add3A_297, %mul3A_299 : vector<16xi32>
      %add3A_301 = arith.addi %mul3A_300, %get3A_291 : vector<16xi32>
      %add3A_302 = arith.constant 0 : i32
      %add3A_303 = arith.addi %add3A_302, %while3A_109 : i32
      %swap3A_304 = arith.index_cast %add3A_303 : i32 to index
      %swap3A_305 = arith.constant 112 : index
      %swap3A_306 = tpu.vector_load %arg9[%swap3A_304, %swap3A_305] {strides = array<i32>} : memref<158x128xi32, #tpu.memory_space<vmem>>, vector<1x16xi32>,
      %swap3A_307 = vector.shape_cast %swap3A_306 : vector<1x16xi32> to vector<16xi32>
      %swap3A_308 = vector.shape_cast %add3A_301 : vector<16xi32> to vector<1x16xi32>
      tpu.vector_store %arg9[%swap3A_304, %swap3A_305], %swap3A_308 {strides = array<i32>} : memref<158x128xi32, #tpu.memory_space<vmem>>, vector<1x16xi32>,
      %while3A_309 = arith.constant 0 : i32
      scf.yield %while3A_309 : i32
    }
    %barrier3A = arith.constant 0 : index
    tpu.barrier barrier_id(%barrier3A)
    %while3A_36 = arith.constant 0 : i32
    %while3A_37 = arith.constant 0 : i32
    %while3A_38 = arith.subi %add3A_4, %while3A_36 : i32
    %while3A_39 = arith.addi %while3A_36, %while3A_38 : i32
    %while3A_40 = arith.constant 1 : i32
    %while3A_41 = arith.divsi %while3A_38, %while3A_40 : i32
    %while3A_42 = arith.muli %while3A_41, %while3A_40 : i32
    %while3A_43 = arith.addi %while3A_36, %while3A_42 : i32
    %while3A_44 = arith.constant 1 : i32
    %while3A_45 = scf.for %while3A_109 = %while3A_36 to %while3A_43 step %while3A_44 iter_args(%while3A_110 = %while3A_37) -> (i32)  : i32 {
      %add3A_111 = arith.constant 0 : i32
      %add3A_112 = arith.addi %add3A_111, %while3A_109 : i32
      %dma_start3A = arith.constant 0 : i32
      %dma_start3A_113 = arith.constant 0 : i32
      %dma_start3A_114 = tpu.memref_slice %arg10[%dma_start3A, %dma_start3A_113] : memref<78x128xf32, #tpu.memory_space<vmem>> -> memref<1x128xf32, #tpu.memory_space<vmem>>
      %dma_start3A_115 = tpu.memref_squeeze %dma_start3A_114 : memref<1x128xf32, #tpu.memory_space<vmem>> -> memref<128xf32, #tpu.memory_space<vmem>>
      %dma_start3A_116 = arith.constant 0 : i32
      %dma_start3A_117 = tpu.memref_slice %arg9[%add3A_112, %dma_start3A_116] : memref<158x128xi32, #tpu.memory_space<vmem>> -> memref<1x128xi32, #tpu.memory_space<vmem>>
      %dma_start3A_118 = tpu.memref_squeeze %dma_start3A_117 : memref<1x128xi32, #tpu.memory_space<vmem>> -> memref<128xi32, #tpu.memory_space<vmem>>
      %dma_start3A_119 = arith.constant 0 : i32
      %dma_start3A_120 = tpu.memref_slice %arg11[%dma_start3A_119] : memref<161792xf32, #tpu.memory_space<vmem_shared>> -> memref<161792xf32, #tpu.memory_space<vmem_shared>>
      tpu.enqueue_indirect_dma source(%dma_start3A_115 : memref<128xf32, #tpu.memory_space<vmem>>) target(%dma_start3A_120 : memref<161792xf32, #tpu.memory_space<vmem_shared>>) offsets(%dma_start3A_118 : memref<128xi32, #tpu.memory_space<vmem>>) semaphore(%arg12 : memref<!tpu.dma_semaphore, #tpu.memory_space<semaphore_mem>>) {add = true}
      %while3A_121 = arith.constant 0 : i32
      scf.yield %while3A_121 : i32
    }
    %while3A_46 = arith.constant 1 : i32
    %while3A_47 = scf.for %while3A_109 = %while3A_43 to %while3A_39 step %while3A_46 iter_args(%while3A_110 = %while3A_45) -> (i32)  : i32 {
      %add3A_111 = arith.constant 0 : i32
      %add3A_112 = arith.addi %add3A_111, %while3A_109 : i32
      %dma_start3A = arith.constant 0 : i32
      %dma_start3A_113 = arith.constant 0 : i32
      %dma_start3A_114 = tpu.memref_slice %arg10[%dma_start3A, %dma_start3A_113] : memref<78x128xf32, #tpu.memory_space<vmem>> -> memref<1x128xf32, #tpu.memory_space<vmem>>
      %dma_start3A_115 = tpu.memref_squeeze %dma_start3A_114 : memref<1x128xf32, #tpu.memory_space<vmem>> -> memref<128xf32, #tpu.memory_space<vmem>>
      %dma_start3A_116 = arith.constant 0 : i32
      %dma_start3A_117 = tpu.memref_slice %arg9[%add3A_112, %dma_start3A_116] : memref<158x128xi32, #tpu.memory_space<vmem>> -> memref<1x128xi32, #tpu.memory_space<vmem>>
      %dma_start3A_118 = tpu.memref_squeeze %dma_start3A_117 : memref<1x128xi32, #tpu.memory_space<vmem>> -> memref<128xi32, #tpu.memory_space<vmem>>
      %dma_start3A_119 = arith.constant 0 : i32
      %dma_start3A_120 = tpu.memref_slice %arg11[%dma_start3A_119] : memref<161792xf32, #tpu.memory_space<vmem_shared>> -> memref<161792xf32, #tpu.memory_space<vmem_shared>>
      tpu.enqueue_indirect_dma source(%dma_start3A_115 : memref<128xf32, #tpu.memory_space<vmem>>) target(%dma_start3A_120 : memref<161792xf32, #tpu.memory_space<vmem_shared>>) offsets(%dma_start3A_118 : memref<128xi32, #tpu.memory_space<vmem>>) semaphore(%arg12 : memref<!tpu.dma_semaphore, #tpu.memory_space<semaphore_mem>>) {add = true}
      %while3A_121 = arith.constant 0 : i32
      scf.yield %while3A_121 : i32
    }
    %add3A_48 = arith.constant 320000 : i32
    %add3A_49 = arith.addi %add3A_48, %multiple_of3A : i32
    %multiple_of3A_50 = tpu.assume_multiple %add3A_49, 128 : i32
    "tpu.region"() ({
      %run_scoped3A = tpu.sem_alloc : memref<!tpu.dma_semaphore, #tpu.memory_space<semaphore_mem>>
      %dma_start3A = arith.constant 0 : i32
      %dma_start3A_109 = tpu.memref_slice %arg8[%dma_start3A] : memref<10112xi32, #tpu.memory_space<vmem>> -> memref<9984xi32, #tpu.memory_space<vmem>>
      %dma_start3A_110 = tpu.memref_slice %arg2[%multiple_of3A_50] : memref<640000xi32, #tpu.memory_space<hbm>> -> memref<9984xi32, #tpu.memory_space<hbm>>
      %dma_start3A_111 = arith.constant 0 : i32
      %dma_start3A_112 = tpu.memref_slice %arg8[%dma_start3A_111] : memref<10112xi32, #tpu.memory_space<vmem>> -> memref<9984xi32, #tpu.memory_space<vmem>>
      %dma_start3A_113 = tpu.memref_slice %arg2[%multiple_of3A_50] : memref<640000xi32, #tpu.memory_space<hbm>> -> memref<9984xi32, #tpu.memory_space<hbm>>
      tpu.enqueue_dma source(%dma_start3A_113 : memref<9984xi32, #tpu.memory_space<hbm>>) target(%dma_start3A_112 : memref<9984xi32, #tpu.memory_space<vmem>>) target_semaphore(%run_scoped3A : memref<!tpu.dma_semaphore, #tpu.memory_space<semaphore_mem>>)
      %dma_wait3A = arith.constant 0 : i32
      %dma_wait3A_114 = tpu.memref_slice %arg8[%dma_wait3A] : memref<10112xi32, #tpu.memory_space<vmem>> -> memref<9984xi32, #tpu.memory_space<vmem>>
      %dma_wait3A_115 = tpu.memref_slice %arg2[%multiple_of3A_50] : memref<640000xi32, #tpu.memory_space<hbm>> -> memref<9984xi32, #tpu.memory_space<hbm>>
      %dma_wait3A_116 = arith.constant 0 : i32
      %dma_wait3A_117 = tpu.memref_slice %arg8[%dma_wait3A_116] : memref<10112xi32, #tpu.memory_space<vmem>> -> memref<9984xi32, #tpu.memory_space<vmem>>
      %dma_wait3A_118 = tpu.memref_slice %arg2[%multiple_of3A_50] : memref<640000xi32, #tpu.memory_space<hbm>> -> memref<9984xi32, #tpu.memory_space<hbm>>
      tpu.wait_dma2 semaphore(%run_scoped3A : memref<!tpu.dma_semaphore, #tpu.memory_space<semaphore_mem>>) src(%dma_wait3A_118 : memref<9984xi32, #tpu.memory_space<hbm>>) dst(%dma_wait3A_117 : memref<9984xi32, #tpu.memory_space<vmem>>)
      tpu.yield
    }) : () -> ()
    %lt3A_51 = arith.constant 4 : i32
    %lt3A_52 = arith.cmpi slt, %add3A, %lt3A_51 : i32
    %convert_element_type3A_53 = arith.extui %lt3A_52 : i1 to i32
    %cond3A_54 = arith.constant 0 : i32
    %cond3A_55 = arith.cmpi ne, %convert_element_type3A_53, %cond3A_54 : i32
    scf.if %cond3A_55 {
      %add3A_109 = arith.constant 9984 : i32
      %add3A_110 = arith.addi %multiple_of3A_50, %add3A_109 : i32
      %multiple_of3A_111 = tpu.assume_multiple %add3A_110, 128 : i32
      "tpu.region"() ({
        %run_scoped3A = tpu.sem_alloc : memref<!tpu.dma_semaphore, #tpu.memory_space<semaphore_mem>>
        %dma_start3A = arith.constant 9984 : i32
        %dma_start3A_112 = tpu.memref_slice %arg8[%dma_start3A] : memref<10112xi32, #tpu.memory_space<vmem>> -> memref<128xi32, #tpu.memory_space<vmem>>
        %dma_start3A_113 = tpu.memref_slice %arg2[%multiple_of3A_111] : memref<640000xi32, #tpu.memory_space<hbm>> -> memref<128xi32, #tpu.memory_space<hbm>>
        %dma_start3A_114 = arith.constant 9984 : i32
        %dma_start3A_115 = tpu.memref_slice %arg8[%dma_start3A_114] : memref<10112xi32, #tpu.memory_space<vmem>> -> memref<128xi32, #tpu.memory_space<vmem>>
        %dma_start3A_116 = tpu.memref_slice %arg2[%multiple_of3A_111] : memref<640000xi32, #tpu.memory_space<hbm>> -> memref<128xi32, #tpu.memory_space<hbm>>
        tpu.enqueue_dma source(%dma_start3A_116 : memref<128xi32, #tpu.memory_space<hbm>>) target(%dma_start3A_115 : memref<128xi32, #tpu.memory_space<vmem>>) target_semaphore(%run_scoped3A : memref<!tpu.dma_semaphore, #tpu.memory_space<semaphore_mem>>)
        %dma_wait3A = arith.constant 9984 : i32
        %dma_wait3A_117 = tpu.memref_slice %arg8[%dma_wait3A] : memref<10112xi32, #tpu.memory_space<vmem>> -> memref<128xi32, #tpu.memory_space<vmem>>
        %dma_wait3A_118 = tpu.memref_slice %arg2[%multiple_of3A_111] : memref<640000xi32, #tpu.memory_space<hbm>> -> memref<128xi32, #tpu.memory_space<hbm>>
        %dma_wait3A_119 = arith.constant 9984 : i32
        %dma_wait3A_120 = tpu.memref_slice %arg8[%dma_wait3A_119] : memref<10112xi32, #tpu.memory_space<vmem>> -> memref<128xi32, #tpu.memory_space<vmem>>
        %dma_wait3A_121 = tpu.memref_slice %arg2[%multiple_of3A_111] : memref<640000xi32, #tpu.memory_space<hbm>> -> memref<128xi32, #tpu.memory_space<hbm>>
        tpu.wait_dma2 semaphore(%run_scoped3A : memref<!tpu.dma_semaphore, #tpu.memory_space<semaphore_mem>>) src(%dma_wait3A_121 : memref<128xi32, #tpu.memory_space<hbm>>) dst(%dma_wait3A_120 : memref<128xi32, #tpu.memory_space<vmem>>)
        tpu.yield
      }) : () -> ()
    } else {
    }
    %while3A_56 = arith.constant 0 : i32
    %while3A_57 = arith.constant 0 : i32
    %while3A_58 = arith.subi %add3A_4, %while3A_56 : i32
    %while3A_59 = arith.addi %while3A_56, %while3A_58 : i32
    %while3A_60 = arith.constant 1 : i32
    %while3A_61 = arith.divsi %while3A_58, %while3A_60 : i32
    %while3A_62 = arith.muli %while3A_61, %while3A_60 : i32
    %while3A_63 = arith.addi %while3A_56, %while3A_62 : i32
    %while3A_64 = arith.constant 1 : i32
    %while3A_65 = scf.for %while3A_109 = %while3A_56 to %while3A_63 step %while3A_64 iter_args(%while3A_110 = %while3A_57) -> (i32)  : i32 {
      %mul3A_111 = arith.constant 128 : i32
      %mul3A_112 = arith.muli %while3A_109, %mul3A_111 : i32
      %add3A_113 = arith.constant 0 : i32
      %add3A_114 = arith.addi %mul3A_112, %add3A_113 : i32
      %multiple_of3A_115 = tpu.assume_multiple %add3A_114, 8 : i32
      %get3A = arith.index_cast %multiple_of3A_115 : i32 to index
      %get3A_116 = tpu.vector_load %arg8[%get3A] {strides = array<i32>} : memref<10112xi32, #tpu.memory_space<vmem>>, vector<16xi32>,
      %get3A_117 = vector.shape_cast %get3A_116 : vector<16xi32> to vector<16xi32>
      %get3A_118 = arith.index_cast %multiple_of3A_115 : i32 to index
      %get3A_119 = tpu.vector_load %arg7[%get3A_118] {strides = array<i32>} : memref<10112xi32, #tpu.memory_space<vmem>>, vector<16xi32>,
      %get3A_120 = vector.shape_cast %get3A_119 : vector<16xi32> to vector<16xi32>
      %add3A_121 = arith.constant 8 : i32
      %add3A_122 = vector.broadcast %add3A_121 : i32 to vector<16xi32>
      %add3A_123 = arith.addi %get3A_120, %add3A_122 : vector<16xi32>
      %mul3A_124 = arith.constant 10112 : i32
      %mul3A_125 = vector.broadcast %mul3A_124 : i32 to vector<16xi32>
      %mul3A_126 = arith.muli %add3A_123, %mul3A_125 : vector<16xi32>
      %add3A_127 = arith.addi %mul3A_126, %get3A_117 : vector<16xi32>
      %add3A_128 = arith.constant 79 : i32
      %add3A_129 = arith.addi %add3A_128, %while3A_109 : i32
      %swap3A = arith.index_cast %add3A_129 : i32 to index
      %swap3A_130 = arith.constant 0 : index
      %swap3A_131 = tpu.vector_load %arg9[%swap3A, %swap3A_130] {strides = array<i32>} : memref<158x128xi32, #tpu.memory_space<vmem>>, vector<1x16xi32>,
      %swap3A_132 = vector.shape_cast %swap3A_131 : vector<1x16xi32> to vector<16xi32>
      %swap3A_133 = vector.shape_cast %add3A_127 : vector<16xi32> to vector<1x16xi32>
      tpu.vector_store %arg9[%swap3A, %swap3A_130], %swap3A_133 {strides = array<i32>} : memref<158x128xi32, #tpu.memory_space<vmem>>, vector<1x16xi32>,
      %mul3A_134 = arith.constant 128 : i32
      %mul3A_135 = arith.muli %while3A_109, %mul3A_134 : i32
      %add3A_136 = arith.constant 16 : i32
      %add3A_137 = arith.addi %mul3A_135, %add3A_136 : i32
      %multiple_of3A_138 = tpu.assume_multiple %add3A_137, 8 : i32
      %get3A_139 = arith.index_cast %multiple_of3A_138 : i32 to index
      %get3A_140 = tpu.vector_load %arg8[%get3A_139] {strides = array<i32>} : memref<10112xi32, #tpu.memory_space<vmem>>, vector<16xi32>,
      %get3A_141 = vector.shape_cast %get3A_140 : vector<16xi32> to vector<16xi32>
      %get3A_142 = arith.index_cast %multiple_of3A_138 : i32 to index
      %get3A_143 = tpu.vector_load %arg7[%get3A_142] {strides = array<i32>} : memref<10112xi32, #tpu.memory_space<vmem>>, vector<16xi32>,
      %get3A_144 = vector.shape_cast %get3A_143 : vector<16xi32> to vector<16xi32>
      %add3A_145 = arith.constant 8 : i32
      %add3A_146 = vector.broadcast %add3A_145 : i32 to vector<16xi32>
      %add3A_147 = arith.addi %get3A_144, %add3A_146 : vector<16xi32>
      %mul3A_148 = arith.constant 10112 : i32
      %mul3A_149 = vector.broadcast %mul3A_148 : i32 to vector<16xi32>
      %mul3A_150 = arith.muli %add3A_147, %mul3A_149 : vector<16xi32>
      %add3A_151 = arith.addi %mul3A_150, %get3A_141 : vector<16xi32>
      %add3A_152 = arith.constant 79 : i32
      %add3A_153 = arith.addi %add3A_152, %while3A_109 : i32
      %swap3A_154 = arith.index_cast %add3A_153 : i32 to index
      %swap3A_155 = arith.constant 16 : index
      %swap3A_156 = tpu.vector_load %arg9[%swap3A_154, %swap3A_155] {strides = array<i32>} : memref<158x128xi32, #tpu.memory_space<vmem>>, vector<1x16xi32>,
      %swap3A_157 = vector.shape_cast %swap3A_156 : vector<1x16xi32> to vector<16xi32>
      %swap3A_158 = vector.shape_cast %add3A_151 : vector<16xi32> to vector<1x16xi32>
      tpu.vector_store %arg9[%swap3A_154, %swap3A_155], %swap3A_158 {strides = array<i32>} : memref<158x128xi32, #tpu.memory_space<vmem>>, vector<1x16xi32>,
      %mul3A_159 = arith.constant 128 : i32
      %mul3A_160 = arith.muli %while3A_109, %mul3A_159 : i32
      %add3A_161 = arith.constant 32 : i32
      %add3A_162 = arith.addi %mul3A_160, %add3A_161 : i32
      %multiple_of3A_163 = tpu.assume_multiple %add3A_162, 8 : i32
      %get3A_164 = arith.index_cast %multiple_of3A_163 : i32 to index
      %get3A_165 = tpu.vector_load %arg8[%get3A_164] {strides = array<i32>} : memref<10112xi32, #tpu.memory_space<vmem>>, vector<16xi32>,
      %get3A_166 = vector.shape_cast %get3A_165 : vector<16xi32> to vector<16xi32>
      %get3A_167 = arith.index_cast %multiple_of3A_163 : i32 to index
      %get3A_168 = tpu.vector_load %arg7[%get3A_167] {strides = array<i32>} : memref<10112xi32, #tpu.memory_space<vmem>>, vector<16xi32>,
      %get3A_169 = vector.shape_cast %get3A_168 : vector<16xi32> to vector<16xi32>
      %add3A_170 = arith.constant 8 : i32
      %add3A_171 = vector.broadcast %add3A_170 : i32 to vector<16xi32>
      %add3A_172 = arith.addi %get3A_169, %add3A_171 : vector<16xi32>
      %mul3A_173 = arith.constant 10112 : i32
      %mul3A_174 = vector.broadcast %mul3A_173 : i32 to vector<16xi32>
      %mul3A_175 = arith.muli %add3A_172, %mul3A_174 : vector<16xi32>
      %add3A_176 = arith.addi %mul3A_175, %get3A_166 : vector<16xi32>
      %add3A_177 = arith.constant 79 : i32
      %add3A_178 = arith.addi %add3A_177, %while3A_109 : i32
      %swap3A_179 = arith.index_cast %add3A_178 : i32 to index
      %swap3A_180 = arith.constant 32 : index
      %swap3A_181 = tpu.vector_load %arg9[%swap3A_179, %swap3A_180] {strides = array<i32>} : memref<158x128xi32, #tpu.memory_space<vmem>>, vector<1x16xi32>,
      %swap3A_182 = vector.shape_cast %swap3A_181 : vector<1x16xi32> to vector<16xi32>
      %swap3A_183 = vector.shape_cast %add3A_176 : vector<16xi32> to vector<1x16xi32>
      tpu.vector_store %arg9[%swap3A_179, %swap3A_180], %swap3A_183 {strides = array<i32>} : memref<158x128xi32, #tpu.memory_space<vmem>>, vector<1x16xi32>,
      %mul3A_184 = arith.constant 128 : i32
      %mul3A_185 = arith.muli %while3A_109, %mul3A_184 : i32
      %add3A_186 = arith.constant 48 : i32
      %add3A_187 = arith.addi %mul3A_185, %add3A_186 : i32
      %multiple_of3A_188 = tpu.assume_multiple %add3A_187, 8 : i32
      %get3A_189 = arith.index_cast %multiple_of3A_188 : i32 to index
      %get3A_190 = tpu.vector_load %arg8[%get3A_189] {strides = array<i32>} : memref<10112xi32, #tpu.memory_space<vmem>>, vector<16xi32>,
      %get3A_191 = vector.shape_cast %get3A_190 : vector<16xi32> to vector<16xi32>
      %get3A_192 = arith.index_cast %multiple_of3A_188 : i32 to index
      %get3A_193 = tpu.vector_load %arg7[%get3A_192] {strides = array<i32>} : memref<10112xi32, #tpu.memory_space<vmem>>, vector<16xi32>,
      %get3A_194 = vector.shape_cast %get3A_193 : vector<16xi32> to vector<16xi32>
      %add3A_195 = arith.constant 8 : i32
      %add3A_196 = vector.broadcast %add3A_195 : i32 to vector<16xi32>
      %add3A_197 = arith.addi %get3A_194, %add3A_196 : vector<16xi32>
      %mul3A_198 = arith.constant 10112 : i32
      %mul3A_199 = vector.broadcast %mul3A_198 : i32 to vector<16xi32>
      %mul3A_200 = arith.muli %add3A_197, %mul3A_199 : vector<16xi32>
      %add3A_201 = arith.addi %mul3A_200, %get3A_191 : vector<16xi32>
      %add3A_202 = arith.constant 79 : i32
      %add3A_203 = arith.addi %add3A_202, %while3A_109 : i32
      %swap3A_204 = arith.index_cast %add3A_203 : i32 to index
      %swap3A_205 = arith.constant 48 : index
      %swap3A_206 = tpu.vector_load %arg9[%swap3A_204, %swap3A_205] {strides = array<i32>} : memref<158x128xi32, #tpu.memory_space<vmem>>, vector<1x16xi32>,
      %swap3A_207 = vector.shape_cast %swap3A_206 : vector<1x16xi32> to vector<16xi32>
      %swap3A_208 = vector.shape_cast %add3A_201 : vector<16xi32> to vector<1x16xi32>
      tpu.vector_store %arg9[%swap3A_204, %swap3A_205], %swap3A_208 {strides = array<i32>} : memref<158x128xi32, #tpu.memory_space<vmem>>, vector<1x16xi32>,
      %mul3A_209 = arith.constant 128 : i32
      %mul3A_210 = arith.muli %while3A_109, %mul3A_209 : i32
      %add3A_211 = arith.constant 64 : i32
      %add3A_212 = arith.addi %mul3A_210, %add3A_211 : i32
      %multiple_of3A_213 = tpu.assume_multiple %add3A_212, 8 : i32
      %get3A_214 = arith.index_cast %multiple_of3A_213 : i32 to index
      %get3A_215 = tpu.vector_load %arg8[%get3A_214] {strides = array<i32>} : memref<10112xi32, #tpu.memory_space<vmem>>, vector<16xi32>,
      %get3A_216 = vector.shape_cast %get3A_215 : vector<16xi32> to vector<16xi32>
      %get3A_217 = arith.index_cast %multiple_of3A_213 : i32 to index
      %get3A_218 = tpu.vector_load %arg7[%get3A_217] {strides = array<i32>} : memref<10112xi32, #tpu.memory_space<vmem>>, vector<16xi32>,
      %get3A_219 = vector.shape_cast %get3A_218 : vector<16xi32> to vector<16xi32>
      %add3A_220 = arith.constant 8 : i32
      %add3A_221 = vector.broadcast %add3A_220 : i32 to vector<16xi32>
      %add3A_222 = arith.addi %get3A_219, %add3A_221 : vector<16xi32>
      %mul3A_223 = arith.constant 10112 : i32
      %mul3A_224 = vector.broadcast %mul3A_223 : i32 to vector<16xi32>
      %mul3A_225 = arith.muli %add3A_222, %mul3A_224 : vector<16xi32>
      %add3A_226 = arith.addi %mul3A_225, %get3A_216 : vector<16xi32>
      %add3A_227 = arith.constant 79 : i32
      %add3A_228 = arith.addi %add3A_227, %while3A_109 : i32
      %swap3A_229 = arith.index_cast %add3A_228 : i32 to index
      %swap3A_230 = arith.constant 64 : index
      %swap3A_231 = tpu.vector_load %arg9[%swap3A_229, %swap3A_230] {strides = array<i32>} : memref<158x128xi32, #tpu.memory_space<vmem>>, vector<1x16xi32>,
      %swap3A_232 = vector.shape_cast %swap3A_231 : vector<1x16xi32> to vector<16xi32>
      %swap3A_233 = vector.shape_cast %add3A_226 : vector<16xi32> to vector<1x16xi32>
      tpu.vector_store %arg9[%swap3A_229, %swap3A_230], %swap3A_233 {strides = array<i32>} : memref<158x128xi32, #tpu.memory_space<vmem>>, vector<1x16xi32>,
      %mul3A_234 = arith.constant 128 : i32
      %mul3A_235 = arith.muli %while3A_109, %mul3A_234 : i32
      %add3A_236 = arith.constant 80 : i32
      %add3A_237 = arith.addi %mul3A_235, %add3A_236 : i32
      %multiple_of3A_238 = tpu.assume_multiple %add3A_237, 8 : i32
      %get3A_239 = arith.index_cast %multiple_of3A_238 : i32 to index
      %get3A_240 = tpu.vector_load %arg8[%get3A_239] {strides = array<i32>} : memref<10112xi32, #tpu.memory_space<vmem>>, vector<16xi32>,
      %get3A_241 = vector.shape_cast %get3A_240 : vector<16xi32> to vector<16xi32>
      %get3A_242 = arith.index_cast %multiple_of3A_238 : i32 to index
      %get3A_243 = tpu.vector_load %arg7[%get3A_242] {strides = array<i32>} : memref<10112xi32, #tpu.memory_space<vmem>>, vector<16xi32>,
      %get3A_244 = vector.shape_cast %get3A_243 : vector<16xi32> to vector<16xi32>
      %add3A_245 = arith.constant 8 : i32
      %add3A_246 = vector.broadcast %add3A_245 : i32 to vector<16xi32>
      %add3A_247 = arith.addi %get3A_244, %add3A_246 : vector<16xi32>
      %mul3A_248 = arith.constant 10112 : i32
      %mul3A_249 = vector.broadcast %mul3A_248 : i32 to vector<16xi32>
      %mul3A_250 = arith.muli %add3A_247, %mul3A_249 : vector<16xi32>
      %add3A_251 = arith.addi %mul3A_250, %get3A_241 : vector<16xi32>
      %add3A_252 = arith.constant 79 : i32
      %add3A_253 = arith.addi %add3A_252, %while3A_109 : i32
      %swap3A_254 = arith.index_cast %add3A_253 : i32 to index
      %swap3A_255 = arith.constant 80 : index
      %swap3A_256 = tpu.vector_load %arg9[%swap3A_254, %swap3A_255] {strides = array<i32>} : memref<158x128xi32, #tpu.memory_space<vmem>>, vector<1x16xi32>,
      %swap3A_257 = vector.shape_cast %swap3A_256 : vector<1x16xi32> to vector<16xi32>
      %swap3A_258 = vector.shape_cast %add3A_251 : vector<16xi32> to vector<1x16xi32>
      tpu.vector_store %arg9[%swap3A_254, %swap3A_255], %swap3A_258 {strides = array<i32>} : memref<158x128xi32, #tpu.memory_space<vmem>>, vector<1x16xi32>,
      %mul3A_259 = arith.constant 128 : i32
      %mul3A_260 = arith.muli %while3A_109, %mul3A_259 : i32
      %add3A_261 = arith.constant 96 : i32
      %add3A_262 = arith.addi %mul3A_260, %add3A_261 : i32
      %multiple_of3A_263 = tpu.assume_multiple %add3A_262, 8 : i32
      %get3A_264 = arith.index_cast %multiple_of3A_263 : i32 to index
      %get3A_265 = tpu.vector_load %arg8[%get3A_264] {strides = array<i32>} : memref<10112xi32, #tpu.memory_space<vmem>>, vector<16xi32>,
      %get3A_266 = vector.shape_cast %get3A_265 : vector<16xi32> to vector<16xi32>
      %get3A_267 = arith.index_cast %multiple_of3A_263 : i32 to index
      %get3A_268 = tpu.vector_load %arg7[%get3A_267] {strides = array<i32>} : memref<10112xi32, #tpu.memory_space<vmem>>, vector<16xi32>,
      %get3A_269 = vector.shape_cast %get3A_268 : vector<16xi32> to vector<16xi32>
      %add3A_270 = arith.constant 8 : i32
      %add3A_271 = vector.broadcast %add3A_270 : i32 to vector<16xi32>
      %add3A_272 = arith.addi %get3A_269, %add3A_271 : vector<16xi32>
      %mul3A_273 = arith.constant 10112 : i32
      %mul3A_274 = vector.broadcast %mul3A_273 : i32 to vector<16xi32>
      %mul3A_275 = arith.muli %add3A_272, %mul3A_274 : vector<16xi32>
      %add3A_276 = arith.addi %mul3A_275, %get3A_266 : vector<16xi32>
      %add3A_277 = arith.constant 79 : i32
      %add3A_278 = arith.addi %add3A_277, %while3A_109 : i32
      %swap3A_279 = arith.index_cast %add3A_278 : i32 to index
      %swap3A_280 = arith.constant 96 : index
      %swap3A_281 = tpu.vector_load %arg9[%swap3A_279, %swap3A_280] {strides = array<i32>} : memref<158x128xi32, #tpu.memory_space<vmem>>, vector<1x16xi32>,
      %swap3A_282 = vector.shape_cast %swap3A_281 : vector<1x16xi32> to vector<16xi32>
      %swap3A_283 = vector.shape_cast %add3A_276 : vector<16xi32> to vector<1x16xi32>
      tpu.vector_store %arg9[%swap3A_279, %swap3A_280], %swap3A_283 {strides = array<i32>} : memref<158x128xi32, #tpu.memory_space<vmem>>, vector<1x16xi32>,
      %mul3A_284 = arith.constant 128 : i32
      %mul3A_285 = arith.muli %while3A_109, %mul3A_284 : i32
      %add3A_286 = arith.constant 112 : i32
      %add3A_287 = arith.addi %mul3A_285, %add3A_286 : i32
      %multiple_of3A_288 = tpu.assume_multiple %add3A_287, 8 : i32
      %get3A_289 = arith.index_cast %multiple_of3A_288 : i32 to index
      %get3A_290 = tpu.vector_load %arg8[%get3A_289] {strides = array<i32>} : memref<10112xi32, #tpu.memory_space<vmem>>, vector<16xi32>,
      %get3A_291 = vector.shape_cast %get3A_290 : vector<16xi32> to vector<16xi32>
      %get3A_292 = arith.index_cast %multiple_of3A_288 : i32 to index
      %get3A_293 = tpu.vector_load %arg7[%get3A_292] {strides = array<i32>} : memref<10112xi32, #tpu.memory_space<vmem>>, vector<16xi32>,
      %get3A_294 = vector.shape_cast %get3A_293 : vector<16xi32> to vector<16xi32>
      %add3A_295 = arith.constant 8 : i32
      %add3A_296 = vector.broadcast %add3A_295 : i32 to vector<16xi32>
      %add3A_297 = arith.addi %get3A_294, %add3A_296 : vector<16xi32>
      %mul3A_298 = arith.constant 10112 : i32
      %mul3A_299 = vector.broadcast %mul3A_298 : i32 to vector<16xi32>
      %mul3A_300 = arith.muli %add3A_297, %mul3A_299 : vector<16xi32>
      %add3A_301 = arith.addi %mul3A_300, %get3A_291 : vector<16xi32>
      %add3A_302 = arith.constant 79 : i32
      %add3A_303 = arith.addi %add3A_302, %while3A_109 : i32
      %swap3A_304 = arith.index_cast %add3A_303 : i32 to index
      %swap3A_305 = arith.constant 112 : index
      %swap3A_306 = tpu.vector_load %arg9[%swap3A_304, %swap3A_305] {strides = array<i32>} : memref<158x128xi32, #tpu.memory_space<vmem>>, vector<1x16xi32>,
      %swap3A_307 = vector.shape_cast %swap3A_306 : vector<1x16xi32> to vector<16xi32>
      %swap3A_308 = vector.shape_cast %add3A_301 : vector<16xi32> to vector<1x16xi32>
      tpu.vector_store %arg9[%swap3A_304, %swap3A_305], %swap3A_308 {strides = array<i32>} : memref<158x128xi32, #tpu.memory_space<vmem>>, vector<1x16xi32>,
      %while3A_309 = arith.constant 0 : i32
      scf.yield %while3A_309 : i32
    }
    %while3A_66 = arith.constant 1 : i32
    %while3A_67 = scf.for %while3A_109 = %while3A_63 to %while3A_59 step %while3A_66 iter_args(%while3A_110 = %while3A_65) -> (i32)  : i32 {
      %mul3A_111 = arith.constant 128 : i32
      %mul3A_112 = arith.muli %while3A_109, %mul3A_111 : i32
      %add3A_113 = arith.constant 0 : i32
      %add3A_114 = arith.addi %mul3A_112, %add3A_113 : i32
      %multiple_of3A_115 = tpu.assume_multiple %add3A_114, 8 : i32
      %get3A = arith.index_cast %multiple_of3A_115 : i32 to index
      %get3A_116 = tpu.vector_load %arg8[%get3A] {strides = array<i32>} : memref<10112xi32, #tpu.memory_space<vmem>>, vector<16xi32>,
      %get3A_117 = vector.shape_cast %get3A_116 : vector<16xi32> to vector<16xi32>
      %get3A_118 = arith.index_cast %multiple_of3A_115 : i32 to index
      %get3A_119 = tpu.vector_load %arg7[%get3A_118] {strides = array<i32>} : memref<10112xi32, #tpu.memory_space<vmem>>, vector<16xi32>,
      %get3A_120 = vector.shape_cast %get3A_119 : vector<16xi32> to vector<16xi32>
      %add3A_121 = arith.constant 8 : i32
      %add3A_122 = vector.broadcast %add3A_121 : i32 to vector<16xi32>
      %add3A_123 = arith.addi %get3A_120, %add3A_122 : vector<16xi32>
      %mul3A_124 = arith.constant 10112 : i32
      %mul3A_125 = vector.broadcast %mul3A_124 : i32 to vector<16xi32>
      %mul3A_126 = arith.muli %add3A_123, %mul3A_125 : vector<16xi32>
      %add3A_127 = arith.addi %mul3A_126, %get3A_117 : vector<16xi32>
      %add3A_128 = arith.constant 79 : i32
      %add3A_129 = arith.addi %add3A_128, %while3A_109 : i32
      %swap3A = arith.index_cast %add3A_129 : i32 to index
      %swap3A_130 = arith.constant 0 : index
      %swap3A_131 = tpu.vector_load %arg9[%swap3A, %swap3A_130] {strides = array<i32>} : memref<158x128xi32, #tpu.memory_space<vmem>>, vector<1x16xi32>,
      %swap3A_132 = vector.shape_cast %swap3A_131 : vector<1x16xi32> to vector<16xi32>
      %swap3A_133 = vector.shape_cast %add3A_127 : vector<16xi32> to vector<1x16xi32>
      tpu.vector_store %arg9[%swap3A, %swap3A_130], %swap3A_133 {strides = array<i32>} : memref<158x128xi32, #tpu.memory_space<vmem>>, vector<1x16xi32>,
      %mul3A_134 = arith.constant 128 : i32
      %mul3A_135 = arith.muli %while3A_109, %mul3A_134 : i32
      %add3A_136 = arith.constant 16 : i32
      %add3A_137 = arith.addi %mul3A_135, %add3A_136 : i32
      %multiple_of3A_138 = tpu.assume_multiple %add3A_137, 8 : i32
      %get3A_139 = arith.index_cast %multiple_of3A_138 : i32 to index
      %get3A_140 = tpu.vector_load %arg8[%get3A_139] {strides = array<i32>} : memref<10112xi32, #tpu.memory_space<vmem>>, vector<16xi32>,
      %get3A_141 = vector.shape_cast %get3A_140 : vector<16xi32> to vector<16xi32>
      %get3A_142 = arith.index_cast %multiple_of3A_138 : i32 to index
      %get3A_143 = tpu.vector_load %arg7[%get3A_142] {strides = array<i32>} : memref<10112xi32, #tpu.memory_space<vmem>>, vector<16xi32>,
      %get3A_144 = vector.shape_cast %get3A_143 : vector<16xi32> to vector<16xi32>
      %add3A_145 = arith.constant 8 : i32
      %add3A_146 = vector.broadcast %add3A_145 : i32 to vector<16xi32>
      %add3A_147 = arith.addi %get3A_144, %add3A_146 : vector<16xi32>
      %mul3A_148 = arith.constant 10112 : i32
      %mul3A_149 = vector.broadcast %mul3A_148 : i32 to vector<16xi32>
      %mul3A_150 = arith.muli %add3A_147, %mul3A_149 : vector<16xi32>
      %add3A_151 = arith.addi %mul3A_150, %get3A_141 : vector<16xi32>
      %add3A_152 = arith.constant 79 : i32
      %add3A_153 = arith.addi %add3A_152, %while3A_109 : i32
      %swap3A_154 = arith.index_cast %add3A_153 : i32 to index
      %swap3A_155 = arith.constant 16 : index
      %swap3A_156 = tpu.vector_load %arg9[%swap3A_154, %swap3A_155] {strides = array<i32>} : memref<158x128xi32, #tpu.memory_space<vmem>>, vector<1x16xi32>,
      %swap3A_157 = vector.shape_cast %swap3A_156 : vector<1x16xi32> to vector<16xi32>
      %swap3A_158 = vector.shape_cast %add3A_151 : vector<16xi32> to vector<1x16xi32>
      tpu.vector_store %arg9[%swap3A_154, %swap3A_155], %swap3A_158 {strides = array<i32>} : memref<158x128xi32, #tpu.memory_space<vmem>>, vector<1x16xi32>,
      %mul3A_159 = arith.constant 128 : i32
      %mul3A_160 = arith.muli %while3A_109, %mul3A_159 : i32
      %add3A_161 = arith.constant 32 : i32
      %add3A_162 = arith.addi %mul3A_160, %add3A_161 : i32
      %multiple_of3A_163 = tpu.assume_multiple %add3A_162, 8 : i32
      %get3A_164 = arith.index_cast %multiple_of3A_163 : i32 to index
      %get3A_165 = tpu.vector_load %arg8[%get3A_164] {strides = array<i32>} : memref<10112xi32, #tpu.memory_space<vmem>>, vector<16xi32>,
      %get3A_166 = vector.shape_cast %get3A_165 : vector<16xi32> to vector<16xi32>
      %get3A_167 = arith.index_cast %multiple_of3A_163 : i32 to index
      %get3A_168 = tpu.vector_load %arg7[%get3A_167] {strides = array<i32>} : memref<10112xi32, #tpu.memory_space<vmem>>, vector<16xi32>,
      %get3A_169 = vector.shape_cast %get3A_168 : vector<16xi32> to vector<16xi32>
      %add3A_170 = arith.constant 8 : i32
      %add3A_171 = vector.broadcast %add3A_170 : i32 to vector<16xi32>
      %add3A_172 = arith.addi %get3A_169, %add3A_171 : vector<16xi32>
      %mul3A_173 = arith.constant 10112 : i32
      %mul3A_174 = vector.broadcast %mul3A_173 : i32 to vector<16xi32>
      %mul3A_175 = arith.muli %add3A_172, %mul3A_174 : vector<16xi32>
      %add3A_176 = arith.addi %mul3A_175, %get3A_166 : vector<16xi32>
      %add3A_177 = arith.constant 79 : i32
      %add3A_178 = arith.addi %add3A_177, %while3A_109 : i32
      %swap3A_179 = arith.index_cast %add3A_178 : i32 to index
      %swap3A_180 = arith.constant 32 : index
      %swap3A_181 = tpu.vector_load %arg9[%swap3A_179, %swap3A_180] {strides = array<i32>} : memref<158x128xi32, #tpu.memory_space<vmem>>, vector<1x16xi32>,
      %swap3A_182 = vector.shape_cast %swap3A_181 : vector<1x16xi32> to vector<16xi32>
      %swap3A_183 = vector.shape_cast %add3A_176 : vector<16xi32> to vector<1x16xi32>
      tpu.vector_store %arg9[%swap3A_179, %swap3A_180], %swap3A_183 {strides = array<i32>} : memref<158x128xi32, #tpu.memory_space<vmem>>, vector<1x16xi32>,
      %mul3A_184 = arith.constant 128 : i32
      %mul3A_185 = arith.muli %while3A_109, %mul3A_184 : i32
      %add3A_186 = arith.constant 48 : i32
      %add3A_187 = arith.addi %mul3A_185, %add3A_186 : i32
      %multiple_of3A_188 = tpu.assume_multiple %add3A_187, 8 : i32
      %get3A_189 = arith.index_cast %multiple_of3A_188 : i32 to index
      %get3A_190 = tpu.vector_load %arg8[%get3A_189] {strides = array<i32>} : memref<10112xi32, #tpu.memory_space<vmem>>, vector<16xi32>,
      %get3A_191 = vector.shape_cast %get3A_190 : vector<16xi32> to vector<16xi32>
      %get3A_192 = arith.index_cast %multiple_of3A_188 : i32 to index
      %get3A_193 = tpu.vector_load %arg7[%get3A_192] {strides = array<i32>} : memref<10112xi32, #tpu.memory_space<vmem>>, vector<16xi32>,
      %get3A_194 = vector.shape_cast %get3A_193 : vector<16xi32> to vector<16xi32>
      %add3A_195 = arith.constant 8 : i32
      %add3A_196 = vector.broadcast %add3A_195 : i32 to vector<16xi32>
      %add3A_197 = arith.addi %get3A_194, %add3A_196 : vector<16xi32>
      %mul3A_198 = arith.constant 10112 : i32
      %mul3A_199 = vector.broadcast %mul3A_198 : i32 to vector<16xi32>
      %mul3A_200 = arith.muli %add3A_197, %mul3A_199 : vector<16xi32>
      %add3A_201 = arith.addi %mul3A_200, %get3A_191 : vector<16xi32>
      %add3A_202 = arith.constant 79 : i32
      %add3A_203 = arith.addi %add3A_202, %while3A_109 : i32
      %swap3A_204 = arith.index_cast %add3A_203 : i32 to index
      %swap3A_205 = arith.constant 48 : index
      %swap3A_206 = tpu.vector_load %arg9[%swap3A_204, %swap3A_205] {strides = array<i32>} : memref<158x128xi32, #tpu.memory_space<vmem>>, vector<1x16xi32>,
      %swap3A_207 = vector.shape_cast %swap3A_206 : vector<1x16xi32> to vector<16xi32>
      %swap3A_208 = vector.shape_cast %add3A_201 : vector<16xi32> to vector<1x16xi32>
      tpu.vector_store %arg9[%swap3A_204, %swap3A_205], %swap3A_208 {strides = array<i32>} : memref<158x128xi32, #tpu.memory_space<vmem>>, vector<1x16xi32>,
      %mul3A_209 = arith.constant 128 : i32
      %mul3A_210 = arith.muli %while3A_109, %mul3A_209 : i32
      %add3A_211 = arith.constant 64 : i32
      %add3A_212 = arith.addi %mul3A_210, %add3A_211 : i32
      %multiple_of3A_213 = tpu.assume_multiple %add3A_212, 8 : i32
      %get3A_214 = arith.index_cast %multiple_of3A_213 : i32 to index
      %get3A_215 = tpu.vector_load %arg8[%get3A_214] {strides = array<i32>} : memref<10112xi32, #tpu.memory_space<vmem>>, vector<16xi32>,
      %get3A_216 = vector.shape_cast %get3A_215 : vector<16xi32> to vector<16xi32>
      %get3A_217 = arith.index_cast %multiple_of3A_213 : i32 to index
      %get3A_218 = tpu.vector_load %arg7[%get3A_217] {strides = array<i32>} : memref<10112xi32, #tpu.memory_space<vmem>>, vector<16xi32>,
      %get3A_219 = vector.shape_cast %get3A_218 : vector<16xi32> to vector<16xi32>
      %add3A_220 = arith.constant 8 : i32
      %add3A_221 = vector.broadcast %add3A_220 : i32 to vector<16xi32>
      %add3A_222 = arith.addi %get3A_219, %add3A_221 : vector<16xi32>
      %mul3A_223 = arith.constant 10112 : i32
      %mul3A_224 = vector.broadcast %mul3A_223 : i32 to vector<16xi32>
      %mul3A_225 = arith.muli %add3A_222, %mul3A_224 : vector<16xi32>
      %add3A_226 = arith.addi %mul3A_225, %get3A_216 : vector<16xi32>
      %add3A_227 = arith.constant 79 : i32
      %add3A_228 = arith.addi %add3A_227, %while3A_109 : i32
      %swap3A_229 = arith.index_cast %add3A_228 : i32 to index
      %swap3A_230 = arith.constant 64 : index
      %swap3A_231 = tpu.vector_load %arg9[%swap3A_229, %swap3A_230] {strides = array<i32>} : memref<158x128xi32, #tpu.memory_space<vmem>>, vector<1x16xi32>,
      %swap3A_232 = vector.shape_cast %swap3A_231 : vector<1x16xi32> to vector<16xi32>
      %swap3A_233 = vector.shape_cast %add3A_226 : vector<16xi32> to vector<1x16xi32>
      tpu.vector_store %arg9[%swap3A_229, %swap3A_230], %swap3A_233 {strides = array<i32>} : memref<158x128xi32, #tpu.memory_space<vmem>>, vector<1x16xi32>,
      %mul3A_234 = arith.constant 128 : i32
      %mul3A_235 = arith.muli %while3A_109, %mul3A_234 : i32
      %add3A_236 = arith.constant 80 : i32
      %add3A_237 = arith.addi %mul3A_235, %add3A_236 : i32
      %multiple_of3A_238 = tpu.assume_multiple %add3A_237, 8 : i32
      %get3A_239 = arith.index_cast %multiple_of3A_238 : i32 to index
      %get3A_240 = tpu.vector_load %arg8[%get3A_239] {strides = array<i32>} : memref<10112xi32, #tpu.memory_space<vmem>>, vector<16xi32>,
      %get3A_241 = vector.shape_cast %get3A_240 : vector<16xi32> to vector<16xi32>
      %get3A_242 = arith.index_cast %multiple_of3A_238 : i32 to index
      %get3A_243 = tpu.vector_load %arg7[%get3A_242] {strides = array<i32>} : memref<10112xi32, #tpu.memory_space<vmem>>, vector<16xi32>,
      %get3A_244 = vector.shape_cast %get3A_243 : vector<16xi32> to vector<16xi32>
      %add3A_245 = arith.constant 8 : i32
      %add3A_246 = vector.broadcast %add3A_245 : i32 to vector<16xi32>
      %add3A_247 = arith.addi %get3A_244, %add3A_246 : vector<16xi32>
      %mul3A_248 = arith.constant 10112 : i32
      %mul3A_249 = vector.broadcast %mul3A_248 : i32 to vector<16xi32>
      %mul3A_250 = arith.muli %add3A_247, %mul3A_249 : vector<16xi32>
      %add3A_251 = arith.addi %mul3A_250, %get3A_241 : vector<16xi32>
      %add3A_252 = arith.constant 79 : i32
      %add3A_253 = arith.addi %add3A_252, %while3A_109 : i32
      %swap3A_254 = arith.index_cast %add3A_253 : i32 to index
      %swap3A_255 = arith.constant 80 : index
      %swap3A_256 = tpu.vector_load %arg9[%swap3A_254, %swap3A_255] {strides = array<i32>} : memref<158x128xi32, #tpu.memory_space<vmem>>, vector<1x16xi32>,
      %swap3A_257 = vector.shape_cast %swap3A_256 : vector<1x16xi32> to vector<16xi32>
      %swap3A_258 = vector.shape_cast %add3A_251 : vector<16xi32> to vector<1x16xi32>
      tpu.vector_store %arg9[%swap3A_254, %swap3A_255], %swap3A_258 {strides = array<i32>} : memref<158x128xi32, #tpu.memory_space<vmem>>, vector<1x16xi32>,
      %mul3A_259 = arith.constant 128 : i32
      %mul3A_260 = arith.muli %while3A_109, %mul3A_259 : i32
      %add3A_261 = arith.constant 96 : i32
      %add3A_262 = arith.addi %mul3A_260, %add3A_261 : i32
      %multiple_of3A_263 = tpu.assume_multiple %add3A_262, 8 : i32
      %get3A_264 = arith.index_cast %multiple_of3A_263 : i32 to index
      %get3A_265 = tpu.vector_load %arg8[%get3A_264] {strides = array<i32>} : memref<10112xi32, #tpu.memory_space<vmem>>, vector<16xi32>,
      %get3A_266 = vector.shape_cast %get3A_265 : vector<16xi32> to vector<16xi32>
      %get3A_267 = arith.index_cast %multiple_of3A_263 : i32 to index
      %get3A_268 = tpu.vector_load %arg7[%get3A_267] {strides = array<i32>} : memref<10112xi32, #tpu.memory_space<vmem>>, vector<16xi32>,
      %get3A_269 = vector.shape_cast %get3A_268 : vector<16xi32> to vector<16xi32>
      %add3A_270 = arith.constant 8 : i32
      %add3A_271 = vector.broadcast %add3A_270 : i32 to vector<16xi32>
      %add3A_272 = arith.addi %get3A_269, %add3A_271 : vector<16xi32>
      %mul3A_273 = arith.constant 10112 : i32
      %mul3A_274 = vector.broadcast %mul3A_273 : i32 to vector<16xi32>
      %mul3A_275 = arith.muli %add3A_272, %mul3A_274 : vector<16xi32>
      %add3A_276 = arith.addi %mul3A_275, %get3A_266 : vector<16xi32>
      %add3A_277 = arith.constant 79 : i32
      %add3A_278 = arith.addi %add3A_277, %while3A_109 : i32
      %swap3A_279 = arith.index_cast %add3A_278 : i32 to index
      %swap3A_280 = arith.constant 96 : index
      %swap3A_281 = tpu.vector_load %arg9[%swap3A_279, %swap3A_280] {strides = array<i32>} : memref<158x128xi32, #tpu.memory_space<vmem>>, vector<1x16xi32>,
      %swap3A_282 = vector.shape_cast %swap3A_281 : vector<1x16xi32> to vector<16xi32>
      %swap3A_283 = vector.shape_cast %add3A_276 : vector<16xi32> to vector<1x16xi32>
      tpu.vector_store %arg9[%swap3A_279, %swap3A_280], %swap3A_283 {strides = array<i32>} : memref<158x128xi32, #tpu.memory_space<vmem>>, vector<1x16xi32>,
      %mul3A_284 = arith.constant 128 : i32
      %mul3A_285 = arith.muli %while3A_109, %mul3A_284 : i32
      %add3A_286 = arith.constant 112 : i32
      %add3A_287 = arith.addi %mul3A_285, %add3A_286 : i32
      %multiple_of3A_288 = tpu.assume_multiple %add3A_287, 8 : i32
      %get3A_289 = arith.index_cast %multiple_of3A_288 : i32 to index
      %get3A_290 = tpu.vector_load %arg8[%get3A_289] {strides = array<i32>} : memref<10112xi32, #tpu.memory_space<vmem>>, vector<16xi32>,
      %get3A_291 = vector.shape_cast %get3A_290 : vector<16xi32> to vector<16xi32>
      %get3A_292 = arith.index_cast %multiple_of3A_288 : i32 to index
      %get3A_293 = tpu.vector_load %arg7[%get3A_292] {strides = array<i32>} : memref<10112xi32, #tpu.memory_space<vmem>>, vector<16xi32>,
      %get3A_294 = vector.shape_cast %get3A_293 : vector<16xi32> to vector<16xi32>
      %add3A_295 = arith.constant 8 : i32
      %add3A_296 = vector.broadcast %add3A_295 : i32 to vector<16xi32>
      %add3A_297 = arith.addi %get3A_294, %add3A_296 : vector<16xi32>
      %mul3A_298 = arith.constant 10112 : i32
      %mul3A_299 = vector.broadcast %mul3A_298 : i32 to vector<16xi32>
      %mul3A_300 = arith.muli %add3A_297, %mul3A_299 : vector<16xi32>
      %add3A_301 = arith.addi %mul3A_300, %get3A_291 : vector<16xi32>
      %add3A_302 = arith.constant 79 : i32
      %add3A_303 = arith.addi %add3A_302, %while3A_109 : i32
      %swap3A_304 = arith.index_cast %add3A_303 : i32 to index
      %swap3A_305 = arith.constant 112 : index
      %swap3A_306 = tpu.vector_load %arg9[%swap3A_304, %swap3A_305] {strides = array<i32>} : memref<158x128xi32, #tpu.memory_space<vmem>>, vector<1x16xi32>,
      %swap3A_307 = vector.shape_cast %swap3A_306 : vector<1x16xi32> to vector<16xi32>
      %swap3A_308 = vector.shape_cast %add3A_301 : vector<16xi32> to vector<1x16xi32>
      tpu.vector_store %arg9[%swap3A_304, %swap3A_305], %swap3A_308 {strides = array<i32>} : memref<158x128xi32, #tpu.memory_space<vmem>>, vector<1x16xi32>,
      %while3A_309 = arith.constant 0 : i32
      scf.yield %while3A_309 : i32
    }
    %while3A_68 = arith.constant 0 : i32
    %while3A_69 = arith.constant 0 : i32
    %while3A_70 = arith.subi %add3A_4, %while3A_68 : i32
    %while3A_71 = arith.addi %while3A_68, %while3A_70 : i32
    %while3A_72 = arith.constant 1 : i32
    %while3A_73 = arith.divsi %while3A_70, %while3A_72 : i32
    %while3A_74 = arith.muli %while3A_73, %while3A_72 : i32
    %while3A_75 = arith.addi %while3A_68, %while3A_74 : i32
    %while3A_76 = arith.constant 1 : i32
    %while3A_77 = scf.for %while3A_109 = %while3A_68 to %while3A_75 step %while3A_76 iter_args(%while3A_110 = %while3A_69) -> (i32)  : i32 {
      %add3A_111 = arith.constant 79 : i32
      %add3A_112 = arith.addi %add3A_111, %while3A_109 : i32
      %dma_start3A = arith.constant 0 : i32
      %dma_start3A_113 = arith.constant 0 : i32
      %dma_start3A_114 = tpu.memref_slice %arg10[%dma_start3A, %dma_start3A_113] : memref<78x128xf32, #tpu.memory_space<vmem>> -> memref<1x128xf32, #tpu.memory_space<vmem>>
      %dma_start3A_115 = tpu.memref_squeeze %dma_start3A_114 : memref<1x128xf32, #tpu.memory_space<vmem>> -> memref<128xf32, #tpu.memory_space<vmem>>
      %dma_start3A_116 = arith.constant 0 : i32
      %dma_start3A_117 = tpu.memref_slice %arg9[%add3A_112, %dma_start3A_116] : memref<158x128xi32, #tpu.memory_space<vmem>> -> memref<1x128xi32, #tpu.memory_space<vmem>>
      %dma_start3A_118 = tpu.memref_squeeze %dma_start3A_117 : memref<1x128xi32, #tpu.memory_space<vmem>> -> memref<128xi32, #tpu.memory_space<vmem>>
      %dma_start3A_119 = arith.constant 0 : i32
      %dma_start3A_120 = tpu.memref_slice %arg11[%dma_start3A_119] : memref<161792xf32, #tpu.memory_space<vmem_shared>> -> memref<161792xf32, #tpu.memory_space<vmem_shared>>
      tpu.enqueue_indirect_dma source(%dma_start3A_115 : memref<128xf32, #tpu.memory_space<vmem>>) target(%dma_start3A_120 : memref<161792xf32, #tpu.memory_space<vmem_shared>>) offsets(%dma_start3A_118 : memref<128xi32, #tpu.memory_space<vmem>>) semaphore(%arg12 : memref<!tpu.dma_semaphore, #tpu.memory_space<semaphore_mem>>) {add = true}
      %while3A_121 = arith.constant 0 : i32
      scf.yield %while3A_121 : i32
    }
    %while3A_78 = arith.constant 1 : i32
    %while3A_79 = scf.for %while3A_109 = %while3A_75 to %while3A_71 step %while3A_78 iter_args(%while3A_110 = %while3A_77) -> (i32)  : i32 {
      %add3A_111 = arith.constant 79 : i32
      %add3A_112 = arith.addi %add3A_111, %while3A_109 : i32
      %dma_start3A = arith.constant 0 : i32
      %dma_start3A_113 = arith.constant 0 : i32
      %dma_start3A_114 = tpu.memref_slice %arg10[%dma_start3A, %dma_start3A_113] : memref<78x128xf32, #tpu.memory_space<vmem>> -> memref<1x128xf32, #tpu.memory_space<vmem>>
      %dma_start3A_115 = tpu.memref_squeeze %dma_start3A_114 : memref<1x128xf32, #tpu.memory_space<vmem>> -> memref<128xf32, #tpu.memory_space<vmem>>
      %dma_start3A_116 = arith.constant 0 : i32
      %dma_start3A_117 = tpu.memref_slice %arg9[%add3A_112, %dma_start3A_116] : memref<158x128xi32, #tpu.memory_space<vmem>> -> memref<1x128xi32, #tpu.memory_space<vmem>>
      %dma_start3A_118 = tpu.memref_squeeze %dma_start3A_117 : memref<1x128xi32, #tpu.memory_space<vmem>> -> memref<128xi32, #tpu.memory_space<vmem>>
      %dma_start3A_119 = arith.constant 0 : i32
      %dma_start3A_120 = tpu.memref_slice %arg11[%dma_start3A_119] : memref<161792xf32, #tpu.memory_space<vmem_shared>> -> memref<161792xf32, #tpu.memory_space<vmem_shared>>
      tpu.enqueue_indirect_dma source(%dma_start3A_115 : memref<128xf32, #tpu.memory_space<vmem>>) target(%dma_start3A_120 : memref<161792xf32, #tpu.memory_space<vmem_shared>>) offsets(%dma_start3A_118 : memref<128xi32, #tpu.memory_space<vmem>>) semaphore(%arg12 : memref<!tpu.dma_semaphore, #tpu.memory_space<semaphore_mem>>) {add = true}
      %while3A_121 = arith.constant 0 : i32
      scf.yield %while3A_121 : i32
    }
    %while3A_80 = arith.constant 0 : i32
    %while3A_81 = arith.constant 0 : i32
    %while3A_82 = arith.subi %add3A_4, %while3A_80 : i32
    %while3A_83 = arith.addi %while3A_80, %while3A_82 : i32
    %while3A_84 = arith.constant 1 : i32
    %while3A_85 = arith.divsi %while3A_82, %while3A_84 : i32
    %while3A_86 = arith.muli %while3A_85, %while3A_84 : i32
    %while3A_87 = arith.addi %while3A_80, %while3A_86 : i32
    %while3A_88 = arith.constant 1 : i32
    %while3A_89 = scf.for %while3A_109 = %while3A_80 to %while3A_87 step %while3A_88 iter_args(%while3A_110 = %while3A_81) -> (i32)  : i32 {
      %add3A_111 = arith.constant 0 : i32
      %add3A_112 = arith.addi %add3A_111, %while3A_109 : i32
      %dma_wait3A = arith.constant 0 : i32
      %dma_wait3A_113 = arith.constant 0 : i32
      %dma_wait3A_114 = tpu.memref_slice %arg10[%dma_wait3A, %dma_wait3A_113] : memref<78x128xf32, #tpu.memory_space<vmem>> -> memref<1x128xf32, #tpu.memory_space<vmem>>
      %dma_wait3A_115 = tpu.memref_squeeze %dma_wait3A_114 : memref<1x128xf32, #tpu.memory_space<vmem>> -> memref<128xf32, #tpu.memory_space<vmem>>
      %dma_wait3A_116 = arith.constant 0 : i32
      %dma_wait3A_117 = tpu.memref_slice %arg9[%add3A_112, %dma_wait3A_116] : memref<158x128xi32, #tpu.memory_space<vmem>> -> memref<1x128xi32, #tpu.memory_space<vmem>>
      %dma_wait3A_118 = tpu.memref_squeeze %dma_wait3A_117 : memref<1x128xi32, #tpu.memory_space<vmem>> -> memref<128xi32, #tpu.memory_space<vmem>>
      %dma_wait3A_119 = arith.constant 0 : i32
      %dma_wait3A_120 = tpu.memref_slice %arg11[%dma_wait3A_119] : memref<161792xf32, #tpu.memory_space<vmem_shared>> -> memref<161792xf32, #tpu.memory_space<vmem_shared>>
      tpu.wait_indirect_dma semaphore(%arg12 : memref<!tpu.dma_semaphore, #tpu.memory_space<semaphore_mem>>) src(%dma_wait3A_115 : memref<128xf32, #tpu.memory_space<vmem>>) dst(%dma_wait3A_120 : memref<161792xf32, #tpu.memory_space<vmem_shared>>)
      %while3A_121 = arith.constant 0 : i32
      scf.yield %while3A_121 : i32
    }
    %while3A_90 = arith.constant 1 : i32
    %while3A_91 = scf.for %while3A_109 = %while3A_87 to %while3A_83 step %while3A_90 iter_args(%while3A_110 = %while3A_89) -> (i32)  : i32 {
      %add3A_111 = arith.constant 0 : i32
      %add3A_112 = arith.addi %add3A_111, %while3A_109 : i32
      %dma_wait3A = arith.constant 0 : i32
      %dma_wait3A_113 = arith.constant 0 : i32
      %dma_wait3A_114 = tpu.memref_slice %arg10[%dma_wait3A, %dma_wait3A_113] : memref<78x128xf32, #tpu.memory_space<vmem>> -> memref<1x128xf32, #tpu.memory_space<vmem>>
      %dma_wait3A_115 = tpu.memref_squeeze %dma_wait3A_114 : memref<1x128xf32, #tpu.memory_space<vmem>> -> memref<128xf32, #tpu.memory_space<vmem>>
      %dma_wait3A_116 = arith.constant 0 : i32
      %dma_wait3A_117 = tpu.memref_slice %arg9[%add3A_112, %dma_wait3A_116] : memref<158x128xi32, #tpu.memory_space<vmem>> -> memref<1x128xi32, #tpu.memory_space<vmem>>
      %dma_wait3A_118 = tpu.memref_squeeze %dma_wait3A_117 : memref<1x128xi32, #tpu.memory_space<vmem>> -> memref<128xi32, #tpu.memory_space<vmem>>
      %dma_wait3A_119 = arith.constant 0 : i32
      %dma_wait3A_120 = tpu.memref_slice %arg11[%dma_wait3A_119] : memref<161792xf32, #tpu.memory_space<vmem_shared>> -> memref<161792xf32, #tpu.memory_space<vmem_shared>>
      tpu.wait_indirect_dma semaphore(%arg12 : memref<!tpu.dma_semaphore, #tpu.memory_space<semaphore_mem>>) src(%dma_wait3A_115 : memref<128xf32, #tpu.memory_space<vmem>>) dst(%dma_wait3A_120 : memref<161792xf32, #tpu.memory_space<vmem_shared>>)
      %while3A_121 = arith.constant 0 : i32
      scf.yield %while3A_121 : i32
    }
    %while3A_92 = arith.constant 0 : i32
    %while3A_93 = arith.constant 0 : i32
    %while3A_94 = arith.subi %add3A_4, %while3A_92 : i32
    %while3A_95 = arith.addi %while3A_92, %while3A_94 : i32
    %while3A_96 = arith.constant 1 : i32
    %while3A_97 = arith.divsi %while3A_94, %while3A_96 : i32
    %while3A_98 = arith.muli %while3A_97, %while3A_96 : i32
    %while3A_99 = arith.addi %while3A_92, %while3A_98 : i32
    %while3A_100 = arith.constant 1 : i32
    %while3A_101 = scf.for %while3A_109 = %while3A_92 to %while3A_99 step %while3A_100 iter_args(%while3A_110 = %while3A_93) -> (i32)  : i32 {
      %add3A_111 = arith.constant 79 : i32
      %add3A_112 = arith.addi %add3A_111, %while3A_109 : i32
      %dma_wait3A = arith.constant 0 : i32
      %dma_wait3A_113 = arith.constant 0 : i32
      %dma_wait3A_114 = tpu.memref_slice %arg10[%dma_wait3A, %dma_wait3A_113] : memref<78x128xf32, #tpu.memory_space<vmem>> -> memref<1x128xf32, #tpu.memory_space<vmem>>
      %dma_wait3A_115 = tpu.memref_squeeze %dma_wait3A_114 : memref<1x128xf32, #tpu.memory_space<vmem>> -> memref<128xf32, #tpu.memory_space<vmem>>
      %dma_wait3A_116 = arith.constant 0 : i32
      %dma_wait3A_117 = tpu.memref_slice %arg9[%add3A_112, %dma_wait3A_116] : memref<158x128xi32, #tpu.memory_space<vmem>> -> memref<1x128xi32, #tpu.memory_space<vmem>>
      %dma_wait3A_118 = tpu.memref_squeeze %dma_wait3A_117 : memref<1x128xi32, #tpu.memory_space<vmem>> -> memref<128xi32, #tpu.memory_space<vmem>>
      %dma_wait3A_119 = arith.constant 0 : i32
      %dma_wait3A_120 = tpu.memref_slice %arg11[%dma_wait3A_119] : memref<161792xf32, #tpu.memory_space<vmem_shared>> -> memref<161792xf32, #tpu.memory_space<vmem_shared>>
      tpu.wait_indirect_dma semaphore(%arg12 : memref<!tpu.dma_semaphore, #tpu.memory_space<semaphore_mem>>) src(%dma_wait3A_115 : memref<128xf32, #tpu.memory_space<vmem>>) dst(%dma_wait3A_120 : memref<161792xf32, #tpu.memory_space<vmem_shared>>)
      %while3A_121 = arith.constant 0 : i32
      scf.yield %while3A_121 : i32
    }
    %while3A_102 = arith.constant 1 : i32
    %while3A_103 = scf.for %while3A_109 = %while3A_99 to %while3A_95 step %while3A_102 iter_args(%while3A_110 = %while3A_101) -> (i32)  : i32 {
      %add3A_111 = arith.constant 79 : i32
      %add3A_112 = arith.addi %add3A_111, %while3A_109 : i32
      %dma_wait3A = arith.constant 0 : i32
      %dma_wait3A_113 = arith.constant 0 : i32
      %dma_wait3A_114 = tpu.memref_slice %arg10[%dma_wait3A, %dma_wait3A_113] : memref<78x128xf32, #tpu.memory_space<vmem>> -> memref<1x128xf32, #tpu.memory_space<vmem>>
      %dma_wait3A_115 = tpu.memref_squeeze %dma_wait3A_114 : memref<1x128xf32, #tpu.memory_space<vmem>> -> memref<128xf32, #tpu.memory_space<vmem>>
      %dma_wait3A_116 = arith.constant 0 : i32
      %dma_wait3A_117 = tpu.memref_slice %arg9[%add3A_112, %dma_wait3A_116] : memref<158x128xi32, #tpu.memory_space<vmem>> -> memref<1x128xi32, #tpu.memory_space<vmem>>
      %dma_wait3A_118 = tpu.memref_squeeze %dma_wait3A_117 : memref<1x128xi32, #tpu.memory_space<vmem>> -> memref<128xi32, #tpu.memory_space<vmem>>
      %dma_wait3A_119 = arith.constant 0 : i32
      %dma_wait3A_120 = tpu.memref_slice %arg11[%dma_wait3A_119] : memref<161792xf32, #tpu.memory_space<vmem_shared>> -> memref<161792xf32, #tpu.memory_space<vmem_shared>>
      tpu.wait_indirect_dma semaphore(%arg12 : memref<!tpu.dma_semaphore, #tpu.memory_space<semaphore_mem>>) src(%dma_wait3A_115 : memref<128xf32, #tpu.memory_space<vmem>>) dst(%dma_wait3A_120 : memref<161792xf32, #tpu.memory_space<vmem_shared>>)
      %while3A_121 = arith.constant 0 : i32
      scf.yield %while3A_121 : i32
    }
    %barrier3A_104 = arith.constant 0 : index
    tpu.barrier barrier_id(%barrier3A_104)
    %mul3A_105 = arith.constant 161792 : i32
    %mul3A_106 = arith.muli %arg0, %mul3A_105 : i32
    %add3A_107 = arith.addi %mul3A_106, %multiple_of3A_13 : i32
    %multiple_of3A_108 = tpu.assume_multiple %add3A_107, 128 : i32
    "tpu.region"() ({
      %run_scoped3A = tpu.sem_alloc : memref<!tpu.dma_semaphore, #tpu.memory_space<semaphore_mem>>
      %dma_start3A = tpu.memref_slice %arg6[%multiple_of3A_108] : memref<323584xf32, #tpu.memory_space<hbm>> -> memref<10112xf32, #tpu.memory_space<hbm>>
      %dma_start3A_109 = tpu.memref_slice %arg11[%multiple_of3A_13] : memref<161792xf32, #tpu.memory_space<vmem_shared>> -> memref<10112xf32, #tpu.memory_space<vmem_shared>>
      tpu.enqueue_dma source(%dma_start3A_109 : memref<10112xf32, #tpu.memory_space<vmem_shared>>) target(%dma_start3A : memref<10112xf32, #tpu.memory_space<hbm>>) target_semaphore(%run_scoped3A : memref<!tpu.dma_semaphore, #tpu.memory_space<semaphore_mem>>)
      %dma_wait3A = tpu.memref_slice %arg6[%multiple_of3A_108] : memref<323584xf32, #tpu.memory_space<hbm>> -> memref<10112xf32, #tpu.memory_space<hbm>>
      %dma_wait3A_110 = tpu.memref_slice %arg11[%multiple_of3A_13] : memref<161792xf32, #tpu.memory_space<vmem_shared>> -> memref<10112xf32, #tpu.memory_space<vmem_shared>>
      tpu.wait_dma2 semaphore(%run_scoped3A : memref<!tpu.dma_semaphore, #tpu.memory_space<semaphore_mem>>) src(%dma_wait3A_110 : memref<10112xf32, #tpu.memory_space<vmem_shared>>) dst(%dma_wait3A : memref<10112xf32, #tpu.memory_space<hbm>>)
      tpu.yield
    }) : () -> ()
    return
  }
}

module attributes {stable_mosaic.version = 14 : i64} {
  func.func @body(%arg0: i32, %arg1: memref<2x16x10112xf32, #tpu.memory_space<vmem>>, %arg2: memref<10000x128xf32, #tpu.memory_space<vmem>>, %arg3: memref<1x16x128x128xf32, #tpu.memory_space<vmem>>, %arg4: memref<1x16x128xf32, #tpu.memory_space<vmem>>, %arg5: memref<10000x128xf32, #tpu.memory_space<vmem>>) attributes {dimension_semantics = [#tpu.dimension_semantics<arbitrary>], iteration_bounds = array<i64: 1>, scalar_prefetch = 0 : i64, scratch_operands = 0 : i64, tpu.core_type = #tpu.core_type<tc>, window_params = [{pipeline_mode = #tpu.pipeline_mode<synchronous>, transform_indices = @transform_0, window_bounds = array<i64: 2, 16, 10112>}, {pipeline_mode = #tpu.pipeline_mode<synchronous>, transform_indices = @transform_1, window_bounds = array<i64: 10000, 128>}, {transform_indices = @transform_2, window_bounds = array<i64: 1, 16, 128, 128>}, {transform_indices = @transform_3, window_bounds = array<i64: 1, 16, 128>}, {pipeline_mode = #tpu.pipeline_mode<synchronous>, transform_indices = @transform_4, window_bounds = array<i64: 10000, 128>}]} {
    %get3A = arith.constant 0 : index
    %get3A_0 = arith.constant 0 : index
    %get3A_1 = arith.constant 0 : index
    %get3A_2 = vector.load %arg1[%get3A, %get3A_0, %get3A_1] : memref<2x16x10112xf32, #tpu.memory_space<vmem>>, vector<1x16x10112xf32>
    %get3A_3 = vector.shape_cast %get3A_2 : vector<1x16x10112xf32> to vector<16x10112xf32>
    %get3A_4 = arith.constant 1 : index
    %get3A_5 = arith.constant 0 : index
    %get3A_6 = arith.constant 0 : index
    %get3A_7 = vector.load %arg1[%get3A_4, %get3A_5, %get3A_6] : memref<2x16x10112xf32, #tpu.memory_space<vmem>>, vector<1x16x10112xf32>
    %get3A_8 = vector.shape_cast %get3A_7 : vector<1x16x10112xf32> to vector<16x10112xf32>
    %add3A = arith.addf %get3A_3, %get3A_8 : vector<16x10112xf32>
    %transpose3A = tpu.transpose %add3A, [1, 0] : vector<16x10112xf32> -> vector<10112x16xf32>
    %get3A_9 = arith.constant 0 : index
    %get3A_10 = arith.constant 0 : index
    %get3A_11 = arith.constant 0 : index
    %get3A_12 = arith.constant 0 : index
    %get3A_13 = vector.load %arg3[%get3A_9, %get3A_10, %get3A_11, %get3A_12] : memref<1x16x128x128xf32, #tpu.memory_space<vmem>>, vector<1x16x128x128xf32>
    %get3A_14 = vector.shape_cast %get3A_13 : vector<1x16x128x128xf32> to vector<16x128x128xf32>
    %reshape3A = vector.shape_cast %get3A_14 : vector<16x128x128xf32> to vector<2048x128xf32>
    %convert_element_type3A = arith.truncf %reshape3A : vector<2048x128xf32> to vector<2048x128xbf16>
    %slice3A = vector.extract_strided_slice %transpose3A {offsets = [0, 0], sizes = [1000, 16], strides = [1, 1]} : vector<10112x16xf32> to vector<1000x16xf32>
    %get3A_15 = arith.constant 0 : index
    %get3A_16 = arith.constant 0 : index
    %get3A_17 = vector.load %arg2[%get3A_15, %get3A_16] : memref<10000x128xf32, #tpu.memory_space<vmem>>, vector<1000x128xf32>
    %convert_element_type3A_18 = arith.truncf %slice3A : vector<1000x16xf32> to vector<1000x16xbf16>
    %broadcast_in_dim3A = vector.shape_cast %convert_element_type3A_18 : vector<1000x16xbf16> to vector<1000x16x1xbf16>
    %convert_element_type3A_19 = arith.truncf %get3A_17 : vector<1000x128xf32> to vector<1000x128xbf16>
    %broadcast_in_dim3A_20 = vector.shape_cast %convert_element_type3A_19 : vector<1000x128xbf16> to vector<1000x1x128xbf16>
    %mul3A = vector.broadcast %broadcast_in_dim3A : vector<1000x16x1xbf16> to vector<1000x16x128xbf16>
    %mul3A_21 = vector.broadcast %broadcast_in_dim3A_20 : vector<1000x1x128xbf16> to vector<1000x16x128xbf16>
    %mul3A_22 = arith.mulf %mul3A, %mul3A_21 : vector<1000x16x128xbf16>
    %reshape3A_23 = vector.shape_cast %mul3A_22 : vector<1000x16x128xbf16> to vector<1000x2048xbf16>
    %dot_general3A = arith.constant dense<0.000000e+00> : vector<1000x128xf32>
    %dot_general3A_24 = tpu.matmul %reshape3A_23, %convert_element_type3A, %dot_general3A {dimension_numbers = #tpu.dot_dimension_numbers<[1], [0], [0], [1], [0, 0, 1, 1], [], []>, transpose_lhs_hint = false} : vector<1000x2048xbf16>, vector<2048x128xbf16>, vector<1000x128xf32> -> vector<1000x128xf32>
    %get3A_25 = arith.constant 0 : index
    %get3A_26 = arith.constant 0 : index
    %get3A_27 = arith.constant 0 : index
    %get3A_28 = vector.load %arg4[%get3A_25, %get3A_26, %get3A_27] : memref<1x16x128xf32, #tpu.memory_space<vmem>>, vector<1x16x128xf32>
    %get3A_29 = vector.shape_cast %get3A_28 : vector<1x16x128xf32> to vector<16x128xf32>
    %dot_general3A_30 = arith.constant dense<0.000000e+00> : vector<1000x128xf32>
    %dot_general3A_31 = tpu.matmul %slice3A, %get3A_29, %dot_general3A_30 {dimension_numbers = #tpu.dot_dimension_numbers<[1], [0], [0], [1], [0, 0, 1, 1], [], []>, transpose_lhs_hint = false} : vector<1000x16xf32>, vector<16x128xf32>, vector<1000x128xf32> -> vector<1000x128xf32>
    %add3A_32 = arith.addf %dot_general3A_24, %dot_general3A_31 : vector<1000x128xf32>
    %reduce_sum3A = arith.constant dense<0.000000e+00> : vector<1000xf32>
    %reduce_sum3A_33 = vector.multi_reduction <add>, %slice3A, %reduce_sum3A [1] : vector<1000x16xf32> to vector<1000xf32>
    %broadcast_in_dim3A_34 = vector.shape_cast %reduce_sum3A_33 : vector<1000xf32> to vector<1000x1xf32>
    %max3A = arith.constant 1.000000e+00 : f32
    %max3A_35 = vector.broadcast %max3A : f32 to vector<1000x1xf32>
    %max3A_36 = arith.maximumf %broadcast_in_dim3A_34, %max3A_35 : vector<1000x1xf32>
    %div3A = vector.broadcast %max3A_36 : vector<1000x1xf32> to vector<1000x128xf32>
    %div3A_37 = arith.divf %add3A_32, %div3A : vector<1000x128xf32>
    %swap3A = arith.constant 0 : index
    %swap3A_38 = arith.constant 0 : index
    %swap3A_39 = vector.load %arg5[%swap3A, %swap3A_38] : memref<10000x128xf32, #tpu.memory_space<vmem>>, vector<1000x128xf32>
    tpu.vector_store %arg5[%swap3A, %swap3A_38], %div3A_37 {strides = array<i32>} : memref<10000x128xf32, #tpu.memory_space<vmem>>, vector<1000x128xf32>,
    %slice3A_40 = vector.extract_strided_slice %transpose3A {offsets = [1000, 0], sizes = [1000, 16], strides = [1, 1]} : vector<10112x16xf32> to vector<1000x16xf32>
    %get3A_41 = arith.constant 1000 : index
    %get3A_42 = arith.constant 0 : index
    %get3A_43 = vector.load %arg2[%get3A_41, %get3A_42] : memref<10000x128xf32, #tpu.memory_space<vmem>>, vector<1000x128xf32>
    %convert_element_type3A_44 = arith.truncf %slice3A_40 : vector<1000x16xf32> to vector<1000x16xbf16>
    %broadcast_in_dim3A_45 = vector.shape_cast %convert_element_type3A_44 : vector<1000x16xbf16> to vector<1000x16x1xbf16>
    %convert_element_type3A_46 = arith.truncf %get3A_43 : vector<1000x128xf32> to vector<1000x128xbf16>
    %broadcast_in_dim3A_47 = vector.shape_cast %convert_element_type3A_46 : vector<1000x128xbf16> to vector<1000x1x128xbf16>
    %mul3A_48 = vector.broadcast %broadcast_in_dim3A_45 : vector<1000x16x1xbf16> to vector<1000x16x128xbf16>
    %mul3A_49 = vector.broadcast %broadcast_in_dim3A_47 : vector<1000x1x128xbf16> to vector<1000x16x128xbf16>
    %mul3A_50 = arith.mulf %mul3A_48, %mul3A_49 : vector<1000x16x128xbf16>
    %reshape3A_51 = vector.shape_cast %mul3A_50 : vector<1000x16x128xbf16> to vector<1000x2048xbf16>
    %dot_general3A_52 = arith.constant dense<0.000000e+00> : vector<1000x128xf32>
    %dot_general3A_53 = tpu.matmul %reshape3A_51, %convert_element_type3A, %dot_general3A_52 {dimension_numbers = #tpu.dot_dimension_numbers<[1], [0], [0], [1], [0, 0, 1, 1], [], []>, transpose_lhs_hint = false} : vector<1000x2048xbf16>, vector<2048x128xbf16>, vector<1000x128xf32> -> vector<1000x128xf32>
    %get3A_54 = arith.constant 0 : index
    %get3A_55 = arith.constant 0 : index
    %get3A_56 = arith.constant 0 : index
    %get3A_57 = vector.load %arg4[%get3A_54, %get3A_55, %get3A_56] : memref<1x16x128xf32, #tpu.memory_space<vmem>>, vector<1x16x128xf32>
    %get3A_58 = vector.shape_cast %get3A_57 : vector<1x16x128xf32> to vector<16x128xf32>
    %dot_general3A_59 = arith.constant dense<0.000000e+00> : vector<1000x128xf32>
    %dot_general3A_60 = tpu.matmul %slice3A_40, %get3A_58, %dot_general3A_59 {dimension_numbers = #tpu.dot_dimension_numbers<[1], [0], [0], [1], [0, 0, 1, 1], [], []>, transpose_lhs_hint = false} : vector<1000x16xf32>, vector<16x128xf32>, vector<1000x128xf32> -> vector<1000x128xf32>
    %add3A_61 = arith.addf %dot_general3A_53, %dot_general3A_60 : vector<1000x128xf32>
    %reduce_sum3A_62 = arith.constant dense<0.000000e+00> : vector<1000xf32>
    %reduce_sum3A_63 = vector.multi_reduction <add>, %slice3A_40, %reduce_sum3A_62 [1] : vector<1000x16xf32> to vector<1000xf32>
    %broadcast_in_dim3A_64 = vector.shape_cast %reduce_sum3A_63 : vector<1000xf32> to vector<1000x1xf32>
    %max3A_65 = arith.constant 1.000000e+00 : f32
    %max3A_66 = vector.broadcast %max3A_65 : f32 to vector<1000x1xf32>
    %max3A_67 = arith.maximumf %broadcast_in_dim3A_64, %max3A_66 : vector<1000x1xf32>
    %div3A_68 = vector.broadcast %max3A_67 : vector<1000x1xf32> to vector<1000x128xf32>
    %div3A_69 = arith.divf %add3A_61, %div3A_68 : vector<1000x128xf32>
    %swap3A_70 = arith.constant 1000 : index
    %swap3A_71 = arith.constant 0 : index
    %swap3A_72 = vector.load %arg5[%swap3A_70, %swap3A_71] : memref<10000x128xf32, #tpu.memory_space<vmem>>, vector<1000x128xf32>
    tpu.vector_store %arg5[%swap3A_70, %swap3A_71], %div3A_69 {strides = array<i32>} : memref<10000x128xf32, #tpu.memory_space<vmem>>, vector<1000x128xf32>,
    %slice3A_73 = vector.extract_strided_slice %transpose3A {offsets = [2000, 0], sizes = [1000, 16], strides = [1, 1]} : vector<10112x16xf32> to vector<1000x16xf32>
    %get3A_74 = arith.constant 2000 : index
    %get3A_75 = arith.constant 0 : index
    %get3A_76 = vector.load %arg2[%get3A_74, %get3A_75] : memref<10000x128xf32, #tpu.memory_space<vmem>>, vector<1000x128xf32>
    %convert_element_type3A_77 = arith.truncf %slice3A_73 : vector<1000x16xf32> to vector<1000x16xbf16>
    %broadcast_in_dim3A_78 = vector.shape_cast %convert_element_type3A_77 : vector<1000x16xbf16> to vector<1000x16x1xbf16>
    %convert_element_type3A_79 = arith.truncf %get3A_76 : vector<1000x128xf32> to vector<1000x128xbf16>
    %broadcast_in_dim3A_80 = vector.shape_cast %convert_element_type3A_79 : vector<1000x128xbf16> to vector<1000x1x128xbf16>
    %mul3A_81 = vector.broadcast %broadcast_in_dim3A_78 : vector<1000x16x1xbf16> to vector<1000x16x128xbf16>
    %mul3A_82 = vector.broadcast %broadcast_in_dim3A_80 : vector<1000x1x128xbf16> to vector<1000x16x128xbf16>
    %mul3A_83 = arith.mulf %mul3A_81, %mul3A_82 : vector<1000x16x128xbf16>
    %reshape3A_84 = vector.shape_cast %mul3A_83 : vector<1000x16x128xbf16> to vector<1000x2048xbf16>
    %dot_general3A_85 = arith.constant dense<0.000000e+00> : vector<1000x128xf32>
    %dot_general3A_86 = tpu.matmul %reshape3A_84, %convert_element_type3A, %dot_general3A_85 {dimension_numbers = #tpu.dot_dimension_numbers<[1], [0], [0], [1], [0, 0, 1, 1], [], []>, transpose_lhs_hint = false} : vector<1000x2048xbf16>, vector<2048x128xbf16>, vector<1000x128xf32> -> vector<1000x128xf32>
    %get3A_87 = arith.constant 0 : index
    %get3A_88 = arith.constant 0 : index
    %get3A_89 = arith.constant 0 : index
    %get3A_90 = vector.load %arg4[%get3A_87, %get3A_88, %get3A_89] : memref<1x16x128xf32, #tpu.memory_space<vmem>>, vector<1x16x128xf32>
    %get3A_91 = vector.shape_cast %get3A_90 : vector<1x16x128xf32> to vector<16x128xf32>
    %dot_general3A_92 = arith.constant dense<0.000000e+00> : vector<1000x128xf32>
    %dot_general3A_93 = tpu.matmul %slice3A_73, %get3A_91, %dot_general3A_92 {dimension_numbers = #tpu.dot_dimension_numbers<[1], [0], [0], [1], [0, 0, 1, 1], [], []>, transpose_lhs_hint = false} : vector<1000x16xf32>, vector<16x128xf32>, vector<1000x128xf32> -> vector<1000x128xf32>
    %add3A_94 = arith.addf %dot_general3A_86, %dot_general3A_93 : vector<1000x128xf32>
    %reduce_sum3A_95 = arith.constant dense<0.000000e+00> : vector<1000xf32>
    %reduce_sum3A_96 = vector.multi_reduction <add>, %slice3A_73, %reduce_sum3A_95 [1] : vector<1000x16xf32> to vector<1000xf32>
    %broadcast_in_dim3A_97 = vector.shape_cast %reduce_sum3A_96 : vector<1000xf32> to vector<1000x1xf32>
    %max3A_98 = arith.constant 1.000000e+00 : f32
    %max3A_99 = vector.broadcast %max3A_98 : f32 to vector<1000x1xf32>
    %max3A_100 = arith.maximumf %broadcast_in_dim3A_97, %max3A_99 : vector<1000x1xf32>
    %div3A_101 = vector.broadcast %max3A_100 : vector<1000x1xf32> to vector<1000x128xf32>
    %div3A_102 = arith.divf %add3A_94, %div3A_101 : vector<1000x128xf32>
    %swap3A_103 = arith.constant 2000 : index
    %swap3A_104 = arith.constant 0 : index
    %swap3A_105 = vector.load %arg5[%swap3A_103, %swap3A_104] : memref<10000x128xf32, #tpu.memory_space<vmem>>, vector<1000x128xf32>
    tpu.vector_store %arg5[%swap3A_103, %swap3A_104], %div3A_102 {strides = array<i32>} : memref<10000x128xf32, #tpu.memory_space<vmem>>, vector<1000x128xf32>,
    %slice3A_106 = vector.extract_strided_slice %transpose3A {offsets = [3000, 0], sizes = [1000, 16], strides = [1, 1]} : vector<10112x16xf32> to vector<1000x16xf32>
    %get3A_107 = arith.constant 3000 : index
    %get3A_108 = arith.constant 0 : index
    %get3A_109 = vector.load %arg2[%get3A_107, %get3A_108] : memref<10000x128xf32, #tpu.memory_space<vmem>>, vector<1000x128xf32>
    %convert_element_type3A_110 = arith.truncf %slice3A_106 : vector<1000x16xf32> to vector<1000x16xbf16>
    %broadcast_in_dim3A_111 = vector.shape_cast %convert_element_type3A_110 : vector<1000x16xbf16> to vector<1000x16x1xbf16>
    %convert_element_type3A_112 = arith.truncf %get3A_109 : vector<1000x128xf32> to vector<1000x128xbf16>
    %broadcast_in_dim3A_113 = vector.shape_cast %convert_element_type3A_112 : vector<1000x128xbf16> to vector<1000x1x128xbf16>
    %mul3A_114 = vector.broadcast %broadcast_in_dim3A_111 : vector<1000x16x1xbf16> to vector<1000x16x128xbf16>
    %mul3A_115 = vector.broadcast %broadcast_in_dim3A_113 : vector<1000x1x128xbf16> to vector<1000x16x128xbf16>
    %mul3A_116 = arith.mulf %mul3A_114, %mul3A_115 : vector<1000x16x128xbf16>
    %reshape3A_117 = vector.shape_cast %mul3A_116 : vector<1000x16x128xbf16> to vector<1000x2048xbf16>
    %dot_general3A_118 = arith.constant dense<0.000000e+00> : vector<1000x128xf32>
    %dot_general3A_119 = tpu.matmul %reshape3A_117, %convert_element_type3A, %dot_general3A_118 {dimension_numbers = #tpu.dot_dimension_numbers<[1], [0], [0], [1], [0, 0, 1, 1], [], []>, transpose_lhs_hint = false} : vector<1000x2048xbf16>, vector<2048x128xbf16>, vector<1000x128xf32> -> vector<1000x128xf32>
    %get3A_120 = arith.constant 0 : index
    %get3A_121 = arith.constant 0 : index
    %get3A_122 = arith.constant 0 : index
    %get3A_123 = vector.load %arg4[%get3A_120, %get3A_121, %get3A_122] : memref<1x16x128xf32, #tpu.memory_space<vmem>>, vector<1x16x128xf32>
    %get3A_124 = vector.shape_cast %get3A_123 : vector<1x16x128xf32> to vector<16x128xf32>
    %dot_general3A_125 = arith.constant dense<0.000000e+00> : vector<1000x128xf32>
    %dot_general3A_126 = tpu.matmul %slice3A_106, %get3A_124, %dot_general3A_125 {dimension_numbers = #tpu.dot_dimension_numbers<[1], [0], [0], [1], [0, 0, 1, 1], [], []>, transpose_lhs_hint = false} : vector<1000x16xf32>, vector<16x128xf32>, vector<1000x128xf32> -> vector<1000x128xf32>
    %add3A_127 = arith.addf %dot_general3A_119, %dot_general3A_126 : vector<1000x128xf32>
    %reduce_sum3A_128 = arith.constant dense<0.000000e+00> : vector<1000xf32>
    %reduce_sum3A_129 = vector.multi_reduction <add>, %slice3A_106, %reduce_sum3A_128 [1] : vector<1000x16xf32> to vector<1000xf32>
    %broadcast_in_dim3A_130 = vector.shape_cast %reduce_sum3A_129 : vector<1000xf32> to vector<1000x1xf32>
    %max3A_131 = arith.constant 1.000000e+00 : f32
    %max3A_132 = vector.broadcast %max3A_131 : f32 to vector<1000x1xf32>
    %max3A_133 = arith.maximumf %broadcast_in_dim3A_130, %max3A_132 : vector<1000x1xf32>
    %div3A_134 = vector.broadcast %max3A_133 : vector<1000x1xf32> to vector<1000x128xf32>
    %div3A_135 = arith.divf %add3A_127, %div3A_134 : vector<1000x128xf32>
    %swap3A_136 = arith.constant 3000 : index
    %swap3A_137 = arith.constant 0 : index
    %swap3A_138 = vector.load %arg5[%swap3A_136, %swap3A_137] : memref<10000x128xf32, #tpu.memory_space<vmem>>, vector<1000x128xf32>
    tpu.vector_store %arg5[%swap3A_136, %swap3A_137], %div3A_135 {strides = array<i32>} : memref<10000x128xf32, #tpu.memory_space<vmem>>, vector<1000x128xf32>,
    %slice3A_139 = vector.extract_strided_slice %transpose3A {offsets = [4000, 0], sizes = [1000, 16], strides = [1, 1]} : vector<10112x16xf32> to vector<1000x16xf32>
    %get3A_140 = arith.constant 4000 : index
    %get3A_141 = arith.constant 0 : index
    %get3A_142 = vector.load %arg2[%get3A_140, %get3A_141] : memref<10000x128xf32, #tpu.memory_space<vmem>>, vector<1000x128xf32>
    %convert_element_type3A_143 = arith.truncf %slice3A_139 : vector<1000x16xf32> to vector<1000x16xbf16>
    %broadcast_in_dim3A_144 = vector.shape_cast %convert_element_type3A_143 : vector<1000x16xbf16> to vector<1000x16x1xbf16>
    %convert_element_type3A_145 = arith.truncf %get3A_142 : vector<1000x128xf32> to vector<1000x128xbf16>
    %broadcast_in_dim3A_146 = vector.shape_cast %convert_element_type3A_145 : vector<1000x128xbf16> to vector<1000x1x128xbf16>
    %mul3A_147 = vector.broadcast %broadcast_in_dim3A_144 : vector<1000x16x1xbf16> to vector<1000x16x128xbf16>
    %mul3A_148 = vector.broadcast %broadcast_in_dim3A_146 : vector<1000x1x128xbf16> to vector<1000x16x128xbf16>
    %mul3A_149 = arith.mulf %mul3A_147, %mul3A_148 : vector<1000x16x128xbf16>
    %reshape3A_150 = vector.shape_cast %mul3A_149 : vector<1000x16x128xbf16> to vector<1000x2048xbf16>
    %dot_general3A_151 = arith.constant dense<0.000000e+00> : vector<1000x128xf32>
    %dot_general3A_152 = tpu.matmul %reshape3A_150, %convert_element_type3A, %dot_general3A_151 {dimension_numbers = #tpu.dot_dimension_numbers<[1], [0], [0], [1], [0, 0, 1, 1], [], []>, transpose_lhs_hint = false} : vector<1000x2048xbf16>, vector<2048x128xbf16>, vector<1000x128xf32> -> vector<1000x128xf32>
    %get3A_153 = arith.constant 0 : index
    %get3A_154 = arith.constant 0 : index
    %get3A_155 = arith.constant 0 : index
    %get3A_156 = vector.load %arg4[%get3A_153, %get3A_154, %get3A_155] : memref<1x16x128xf32, #tpu.memory_space<vmem>>, vector<1x16x128xf32>
    %get3A_157 = vector.shape_cast %get3A_156 : vector<1x16x128xf32> to vector<16x128xf32>
    %dot_general3A_158 = arith.constant dense<0.000000e+00> : vector<1000x128xf32>
    %dot_general3A_159 = tpu.matmul %slice3A_139, %get3A_157, %dot_general3A_158 {dimension_numbers = #tpu.dot_dimension_numbers<[1], [0], [0], [1], [0, 0, 1, 1], [], []>, transpose_lhs_hint = false} : vector<1000x16xf32>, vector<16x128xf32>, vector<1000x128xf32> -> vector<1000x128xf32>
    %add3A_160 = arith.addf %dot_general3A_152, %dot_general3A_159 : vector<1000x128xf32>
    %reduce_sum3A_161 = arith.constant dense<0.000000e+00> : vector<1000xf32>
    %reduce_sum3A_162 = vector.multi_reduction <add>, %slice3A_139, %reduce_sum3A_161 [1] : vector<1000x16xf32> to vector<1000xf32>
    %broadcast_in_dim3A_163 = vector.shape_cast %reduce_sum3A_162 : vector<1000xf32> to vector<1000x1xf32>
    %max3A_164 = arith.constant 1.000000e+00 : f32
    %max3A_165 = vector.broadcast %max3A_164 : f32 to vector<1000x1xf32>
    %max3A_166 = arith.maximumf %broadcast_in_dim3A_163, %max3A_165 : vector<1000x1xf32>
    %div3A_167 = vector.broadcast %max3A_166 : vector<1000x1xf32> to vector<1000x128xf32>
    %div3A_168 = arith.divf %add3A_160, %div3A_167 : vector<1000x128xf32>
    %swap3A_169 = arith.constant 4000 : index
    %swap3A_170 = arith.constant 0 : index
    %swap3A_171 = vector.load %arg5[%swap3A_169, %swap3A_170] : memref<10000x128xf32, #tpu.memory_space<vmem>>, vector<1000x128xf32>
    tpu.vector_store %arg5[%swap3A_169, %swap3A_170], %div3A_168 {strides = array<i32>} : memref<10000x128xf32, #tpu.memory_space<vmem>>, vector<1000x128xf32>,
    %slice3A_172 = vector.extract_strided_slice %transpose3A {offsets = [5000, 0], sizes = [1000, 16], strides = [1, 1]} : vector<10112x16xf32> to vector<1000x16xf32>
    %get3A_173 = arith.constant 5000 : index
    %get3A_174 = arith.constant 0 : index
    %get3A_175 = vector.load %arg2[%get3A_173, %get3A_174] : memref<10000x128xf32, #tpu.memory_space<vmem>>, vector<1000x128xf32>
    %convert_element_type3A_176 = arith.truncf %slice3A_172 : vector<1000x16xf32> to vector<1000x16xbf16>
    %broadcast_in_dim3A_177 = vector.shape_cast %convert_element_type3A_176 : vector<1000x16xbf16> to vector<1000x16x1xbf16>
    %convert_element_type3A_178 = arith.truncf %get3A_175 : vector<1000x128xf32> to vector<1000x128xbf16>
    %broadcast_in_dim3A_179 = vector.shape_cast %convert_element_type3A_178 : vector<1000x128xbf16> to vector<1000x1x128xbf16>
    %mul3A_180 = vector.broadcast %broadcast_in_dim3A_177 : vector<1000x16x1xbf16> to vector<1000x16x128xbf16>
    %mul3A_181 = vector.broadcast %broadcast_in_dim3A_179 : vector<1000x1x128xbf16> to vector<1000x16x128xbf16>
    %mul3A_182 = arith.mulf %mul3A_180, %mul3A_181 : vector<1000x16x128xbf16>
    %reshape3A_183 = vector.shape_cast %mul3A_182 : vector<1000x16x128xbf16> to vector<1000x2048xbf16>
    %dot_general3A_184 = arith.constant dense<0.000000e+00> : vector<1000x128xf32>
    %dot_general3A_185 = tpu.matmul %reshape3A_183, %convert_element_type3A, %dot_general3A_184 {dimension_numbers = #tpu.dot_dimension_numbers<[1], [0], [0], [1], [0, 0, 1, 1], [], []>, transpose_lhs_hint = false} : vector<1000x2048xbf16>, vector<2048x128xbf16>, vector<1000x128xf32> -> vector<1000x128xf32>
    %get3A_186 = arith.constant 0 : index
    %get3A_187 = arith.constant 0 : index
    %get3A_188 = arith.constant 0 : index
    %get3A_189 = vector.load %arg4[%get3A_186, %get3A_187, %get3A_188] : memref<1x16x128xf32, #tpu.memory_space<vmem>>, vector<1x16x128xf32>
    %get3A_190 = vector.shape_cast %get3A_189 : vector<1x16x128xf32> to vector<16x128xf32>
    %dot_general3A_191 = arith.constant dense<0.000000e+00> : vector<1000x128xf32>
    %dot_general3A_192 = tpu.matmul %slice3A_172, %get3A_190, %dot_general3A_191 {dimension_numbers = #tpu.dot_dimension_numbers<[1], [0], [0], [1], [0, 0, 1, 1], [], []>, transpose_lhs_hint = false} : vector<1000x16xf32>, vector<16x128xf32>, vector<1000x128xf32> -> vector<1000x128xf32>
    %add3A_193 = arith.addf %dot_general3A_185, %dot_general3A_192 : vector<1000x128xf32>
    %reduce_sum3A_194 = arith.constant dense<0.000000e+00> : vector<1000xf32>
    %reduce_sum3A_195 = vector.multi_reduction <add>, %slice3A_172, %reduce_sum3A_194 [1] : vector<1000x16xf32> to vector<1000xf32>
    %broadcast_in_dim3A_196 = vector.shape_cast %reduce_sum3A_195 : vector<1000xf32> to vector<1000x1xf32>
    %max3A_197 = arith.constant 1.000000e+00 : f32
    %max3A_198 = vector.broadcast %max3A_197 : f32 to vector<1000x1xf32>
    %max3A_199 = arith.maximumf %broadcast_in_dim3A_196, %max3A_198 : vector<1000x1xf32>
    %div3A_200 = vector.broadcast %max3A_199 : vector<1000x1xf32> to vector<1000x128xf32>
    %div3A_201 = arith.divf %add3A_193, %div3A_200 : vector<1000x128xf32>
    %swap3A_202 = arith.constant 5000 : index
    %swap3A_203 = arith.constant 0 : index
    %swap3A_204 = vector.load %arg5[%swap3A_202, %swap3A_203] : memref<10000x128xf32, #tpu.memory_space<vmem>>, vector<1000x128xf32>
    tpu.vector_store %arg5[%swap3A_202, %swap3A_203], %div3A_201 {strides = array<i32>} : memref<10000x128xf32, #tpu.memory_space<vmem>>, vector<1000x128xf32>,
    %slice3A_205 = vector.extract_strided_slice %transpose3A {offsets = [6000, 0], sizes = [1000, 16], strides = [1, 1]} : vector<10112x16xf32> to vector<1000x16xf32>
    %get3A_206 = arith.constant 6000 : index
    %get3A_207 = arith.constant 0 : index
    %get3A_208 = vector.load %arg2[%get3A_206, %get3A_207] : memref<10000x128xf32, #tpu.memory_space<vmem>>, vector<1000x128xf32>
    %convert_element_type3A_209 = arith.truncf %slice3A_205 : vector<1000x16xf32> to vector<1000x16xbf16>
    %broadcast_in_dim3A_210 = vector.shape_cast %convert_element_type3A_209 : vector<1000x16xbf16> to vector<1000x16x1xbf16>
    %convert_element_type3A_211 = arith.truncf %get3A_208 : vector<1000x128xf32> to vector<1000x128xbf16>
    %broadcast_in_dim3A_212 = vector.shape_cast %convert_element_type3A_211 : vector<1000x128xbf16> to vector<1000x1x128xbf16>
    %mul3A_213 = vector.broadcast %broadcast_in_dim3A_210 : vector<1000x16x1xbf16> to vector<1000x16x128xbf16>
    %mul3A_214 = vector.broadcast %broadcast_in_dim3A_212 : vector<1000x1x128xbf16> to vector<1000x16x128xbf16>
    %mul3A_215 = arith.mulf %mul3A_213, %mul3A_214 : vector<1000x16x128xbf16>
    %reshape3A_216 = vector.shape_cast %mul3A_215 : vector<1000x16x128xbf16> to vector<1000x2048xbf16>
    %dot_general3A_217 = arith.constant dense<0.000000e+00> : vector<1000x128xf32>
    %dot_general3A_218 = tpu.matmul %reshape3A_216, %convert_element_type3A, %dot_general3A_217 {dimension_numbers = #tpu.dot_dimension_numbers<[1], [0], [0], [1], [0, 0, 1, 1], [], []>, transpose_lhs_hint = false} : vector<1000x2048xbf16>, vector<2048x128xbf16>, vector<1000x128xf32> -> vector<1000x128xf32>
    %get3A_219 = arith.constant 0 : index
    %get3A_220 = arith.constant 0 : index
    %get3A_221 = arith.constant 0 : index
    %get3A_222 = vector.load %arg4[%get3A_219, %get3A_220, %get3A_221] : memref<1x16x128xf32, #tpu.memory_space<vmem>>, vector<1x16x128xf32>
    %get3A_223 = vector.shape_cast %get3A_222 : vector<1x16x128xf32> to vector<16x128xf32>
    %dot_general3A_224 = arith.constant dense<0.000000e+00> : vector<1000x128xf32>
    %dot_general3A_225 = tpu.matmul %slice3A_205, %get3A_223, %dot_general3A_224 {dimension_numbers = #tpu.dot_dimension_numbers<[1], [0], [0], [1], [0, 0, 1, 1], [], []>, transpose_lhs_hint = false} : vector<1000x16xf32>, vector<16x128xf32>, vector<1000x128xf32> -> vector<1000x128xf32>
    %add3A_226 = arith.addf %dot_general3A_218, %dot_general3A_225 : vector<1000x128xf32>
    %reduce_sum3A_227 = arith.constant dense<0.000000e+00> : vector<1000xf32>
    %reduce_sum3A_228 = vector.multi_reduction <add>, %slice3A_205, %reduce_sum3A_227 [1] : vector<1000x16xf32> to vector<1000xf32>
    %broadcast_in_dim3A_229 = vector.shape_cast %reduce_sum3A_228 : vector<1000xf32> to vector<1000x1xf32>
    %max3A_230 = arith.constant 1.000000e+00 : f32
    %max3A_231 = vector.broadcast %max3A_230 : f32 to vector<1000x1xf32>
    %max3A_232 = arith.maximumf %broadcast_in_dim3A_229, %max3A_231 : vector<1000x1xf32>
    %div3A_233 = vector.broadcast %max3A_232 : vector<1000x1xf32> to vector<1000x128xf32>
    %div3A_234 = arith.divf %add3A_226, %div3A_233 : vector<1000x128xf32>
    %swap3A_235 = arith.constant 6000 : index
    %swap3A_236 = arith.constant 0 : index
    %swap3A_237 = vector.load %arg5[%swap3A_235, %swap3A_236] : memref<10000x128xf32, #tpu.memory_space<vmem>>, vector<1000x128xf32>
    tpu.vector_store %arg5[%swap3A_235, %swap3A_236], %div3A_234 {strides = array<i32>} : memref<10000x128xf32, #tpu.memory_space<vmem>>, vector<1000x128xf32>,
    %slice3A_238 = vector.extract_strided_slice %transpose3A {offsets = [7000, 0], sizes = [1000, 16], strides = [1, 1]} : vector<10112x16xf32> to vector<1000x16xf32>
    %get3A_239 = arith.constant 7000 : index
    %get3A_240 = arith.constant 0 : index
    %get3A_241 = vector.load %arg2[%get3A_239, %get3A_240] : memref<10000x128xf32, #tpu.memory_space<vmem>>, vector<1000x128xf32>
    %convert_element_type3A_242 = arith.truncf %slice3A_238 : vector<1000x16xf32> to vector<1000x16xbf16>
    %broadcast_in_dim3A_243 = vector.shape_cast %convert_element_type3A_242 : vector<1000x16xbf16> to vector<1000x16x1xbf16>
    %convert_element_type3A_244 = arith.truncf %get3A_241 : vector<1000x128xf32> to vector<1000x128xbf16>
    %broadcast_in_dim3A_245 = vector.shape_cast %convert_element_type3A_244 : vector<1000x128xbf16> to vector<1000x1x128xbf16>
    %mul3A_246 = vector.broadcast %broadcast_in_dim3A_243 : vector<1000x16x1xbf16> to vector<1000x16x128xbf16>
    %mul3A_247 = vector.broadcast %broadcast_in_dim3A_245 : vector<1000x1x128xbf16> to vector<1000x16x128xbf16>
    %mul3A_248 = arith.mulf %mul3A_246, %mul3A_247 : vector<1000x16x128xbf16>
    %reshape3A_249 = vector.shape_cast %mul3A_248 : vector<1000x16x128xbf16> to vector<1000x2048xbf16>
    %dot_general3A_250 = arith.constant dense<0.000000e+00> : vector<1000x128xf32>
    %dot_general3A_251 = tpu.matmul %reshape3A_249, %convert_element_type3A, %dot_general3A_250 {dimension_numbers = #tpu.dot_dimension_numbers<[1], [0], [0], [1], [0, 0, 1, 1], [], []>, transpose_lhs_hint = false} : vector<1000x2048xbf16>, vector<2048x128xbf16>, vector<1000x128xf32> -> vector<1000x128xf32>
    %get3A_252 = arith.constant 0 : index
    %get3A_253 = arith.constant 0 : index
    %get3A_254 = arith.constant 0 : index
    %get3A_255 = vector.load %arg4[%get3A_252, %get3A_253, %get3A_254] : memref<1x16x128xf32, #tpu.memory_space<vmem>>, vector<1x16x128xf32>
    %get3A_256 = vector.shape_cast %get3A_255 : vector<1x16x128xf32> to vector<16x128xf32>
    %dot_general3A_257 = arith.constant dense<0.000000e+00> : vector<1000x128xf32>
    %dot_general3A_258 = tpu.matmul %slice3A_238, %get3A_256, %dot_general3A_257 {dimension_numbers = #tpu.dot_dimension_numbers<[1], [0], [0], [1], [0, 0, 1, 1], [], []>, transpose_lhs_hint = false} : vector<1000x16xf32>, vector<16x128xf32>, vector<1000x128xf32> -> vector<1000x128xf32>
    %add3A_259 = arith.addf %dot_general3A_251, %dot_general3A_258 : vector<1000x128xf32>
    %reduce_sum3A_260 = arith.constant dense<0.000000e+00> : vector<1000xf32>
    %reduce_sum3A_261 = vector.multi_reduction <add>, %slice3A_238, %reduce_sum3A_260 [1] : vector<1000x16xf32> to vector<1000xf32>
    %broadcast_in_dim3A_262 = vector.shape_cast %reduce_sum3A_261 : vector<1000xf32> to vector<1000x1xf32>
    %max3A_263 = arith.constant 1.000000e+00 : f32
    %max3A_264 = vector.broadcast %max3A_263 : f32 to vector<1000x1xf32>
    %max3A_265 = arith.maximumf %broadcast_in_dim3A_262, %max3A_264 : vector<1000x1xf32>
    %div3A_266 = vector.broadcast %max3A_265 : vector<1000x1xf32> to vector<1000x128xf32>
    %div3A_267 = arith.divf %add3A_259, %div3A_266 : vector<1000x128xf32>
    %swap3A_268 = arith.constant 7000 : index
    %swap3A_269 = arith.constant 0 : index
    %swap3A_270 = vector.load %arg5[%swap3A_268, %swap3A_269] : memref<10000x128xf32, #tpu.memory_space<vmem>>, vector<1000x128xf32>
    tpu.vector_store %arg5[%swap3A_268, %swap3A_269], %div3A_267 {strides = array<i32>} : memref<10000x128xf32, #tpu.memory_space<vmem>>, vector<1000x128xf32>,
    %slice3A_271 = vector.extract_strided_slice %transpose3A {offsets = [8000, 0], sizes = [1000, 16], strides = [1, 1]} : vector<10112x16xf32> to vector<1000x16xf32>
    %get3A_272 = arith.constant 8000 : index
    %get3A_273 = arith.constant 0 : index
    %get3A_274 = vector.load %arg2[%get3A_272, %get3A_273] : memref<10000x128xf32, #tpu.memory_space<vmem>>, vector<1000x128xf32>
    %convert_element_type3A_275 = arith.truncf %slice3A_271 : vector<1000x16xf32> to vector<1000x16xbf16>
    %broadcast_in_dim3A_276 = vector.shape_cast %convert_element_type3A_275 : vector<1000x16xbf16> to vector<1000x16x1xbf16>
    %convert_element_type3A_277 = arith.truncf %get3A_274 : vector<1000x128xf32> to vector<1000x128xbf16>
    %broadcast_in_dim3A_278 = vector.shape_cast %convert_element_type3A_277 : vector<1000x128xbf16> to vector<1000x1x128xbf16>
    %mul3A_279 = vector.broadcast %broadcast_in_dim3A_276 : vector<1000x16x1xbf16> to vector<1000x16x128xbf16>
    %mul3A_280 = vector.broadcast %broadcast_in_dim3A_278 : vector<1000x1x128xbf16> to vector<1000x16x128xbf16>
    %mul3A_281 = arith.mulf %mul3A_279, %mul3A_280 : vector<1000x16x128xbf16>
    %reshape3A_282 = vector.shape_cast %mul3A_281 : vector<1000x16x128xbf16> to vector<1000x2048xbf16>
    %dot_general3A_283 = arith.constant dense<0.000000e+00> : vector<1000x128xf32>
    %dot_general3A_284 = tpu.matmul %reshape3A_282, %convert_element_type3A, %dot_general3A_283 {dimension_numbers = #tpu.dot_dimension_numbers<[1], [0], [0], [1], [0, 0, 1, 1], [], []>, transpose_lhs_hint = false} : vector<1000x2048xbf16>, vector<2048x128xbf16>, vector<1000x128xf32> -> vector<1000x128xf32>
    %get3A_285 = arith.constant 0 : index
    %get3A_286 = arith.constant 0 : index
    %get3A_287 = arith.constant 0 : index
    %get3A_288 = vector.load %arg4[%get3A_285, %get3A_286, %get3A_287] : memref<1x16x128xf32, #tpu.memory_space<vmem>>, vector<1x16x128xf32>
    %get3A_289 = vector.shape_cast %get3A_288 : vector<1x16x128xf32> to vector<16x128xf32>
    %dot_general3A_290 = arith.constant dense<0.000000e+00> : vector<1000x128xf32>
    %dot_general3A_291 = tpu.matmul %slice3A_271, %get3A_289, %dot_general3A_290 {dimension_numbers = #tpu.dot_dimension_numbers<[1], [0], [0], [1], [0, 0, 1, 1], [], []>, transpose_lhs_hint = false} : vector<1000x16xf32>, vector<16x128xf32>, vector<1000x128xf32> -> vector<1000x128xf32>
    %add3A_292 = arith.addf %dot_general3A_284, %dot_general3A_291 : vector<1000x128xf32>
    %reduce_sum3A_293 = arith.constant dense<0.000000e+00> : vector<1000xf32>
    %reduce_sum3A_294 = vector.multi_reduction <add>, %slice3A_271, %reduce_sum3A_293 [1] : vector<1000x16xf32> to vector<1000xf32>
    %broadcast_in_dim3A_295 = vector.shape_cast %reduce_sum3A_294 : vector<1000xf32> to vector<1000x1xf32>
    %max3A_296 = arith.constant 1.000000e+00 : f32
    %max3A_297 = vector.broadcast %max3A_296 : f32 to vector<1000x1xf32>
    %max3A_298 = arith.maximumf %broadcast_in_dim3A_295, %max3A_297 : vector<1000x1xf32>
    %div3A_299 = vector.broadcast %max3A_298 : vector<1000x1xf32> to vector<1000x128xf32>
    %div3A_300 = arith.divf %add3A_292, %div3A_299 : vector<1000x128xf32>
    %swap3A_301 = arith.constant 8000 : index
    %swap3A_302 = arith.constant 0 : index
    %swap3A_303 = vector.load %arg5[%swap3A_301, %swap3A_302] : memref<10000x128xf32, #tpu.memory_space<vmem>>, vector<1000x128xf32>
    tpu.vector_store %arg5[%swap3A_301, %swap3A_302], %div3A_300 {strides = array<i32>} : memref<10000x128xf32, #tpu.memory_space<vmem>>, vector<1000x128xf32>,
    %slice3A_304 = vector.extract_strided_slice %transpose3A {offsets = [9000, 0], sizes = [1000, 16], strides = [1, 1]} : vector<10112x16xf32> to vector<1000x16xf32>
    %get3A_305 = arith.constant 9000 : index
    %get3A_306 = arith.constant 0 : index
    %get3A_307 = vector.load %arg2[%get3A_305, %get3A_306] : memref<10000x128xf32, #tpu.memory_space<vmem>>, vector<1000x128xf32>
    %convert_element_type3A_308 = arith.truncf %slice3A_304 : vector<1000x16xf32> to vector<1000x16xbf16>
    %broadcast_in_dim3A_309 = vector.shape_cast %convert_element_type3A_308 : vector<1000x16xbf16> to vector<1000x16x1xbf16>
    %convert_element_type3A_310 = arith.truncf %get3A_307 : vector<1000x128xf32> to vector<1000x128xbf16>
    %broadcast_in_dim3A_311 = vector.shape_cast %convert_element_type3A_310 : vector<1000x128xbf16> to vector<1000x1x128xbf16>
    %mul3A_312 = vector.broadcast %broadcast_in_dim3A_309 : vector<1000x16x1xbf16> to vector<1000x16x128xbf16>
    %mul3A_313 = vector.broadcast %broadcast_in_dim3A_311 : vector<1000x1x128xbf16> to vector<1000x16x128xbf16>
    %mul3A_314 = arith.mulf %mul3A_312, %mul3A_313 : vector<1000x16x128xbf16>
    %reshape3A_315 = vector.shape_cast %mul3A_314 : vector<1000x16x128xbf16> to vector<1000x2048xbf16>
    %dot_general3A_316 = arith.constant dense<0.000000e+00> : vector<1000x128xf32>
    %dot_general3A_317 = tpu.matmul %reshape3A_315, %convert_element_type3A, %dot_general3A_316 {dimension_numbers = #tpu.dot_dimension_numbers<[1], [0], [0], [1], [0, 0, 1, 1], [], []>, transpose_lhs_hint = false} : vector<1000x2048xbf16>, vector<2048x128xbf16>, vector<1000x128xf32> -> vector<1000x128xf32>
    %get3A_318 = arith.constant 0 : index
    %get3A_319 = arith.constant 0 : index
    %get3A_320 = arith.constant 0 : index
    %get3A_321 = vector.load %arg4[%get3A_318, %get3A_319, %get3A_320] : memref<1x16x128xf32, #tpu.memory_space<vmem>>, vector<1x16x128xf32>
    %get3A_322 = vector.shape_cast %get3A_321 : vector<1x16x128xf32> to vector<16x128xf32>
    %dot_general3A_323 = arith.constant dense<0.000000e+00> : vector<1000x128xf32>
    %dot_general3A_324 = tpu.matmul %slice3A_304, %get3A_322, %dot_general3A_323 {dimension_numbers = #tpu.dot_dimension_numbers<[1], [0], [0], [1], [0, 0, 1, 1], [], []>, transpose_lhs_hint = false} : vector<1000x16xf32>, vector<16x128xf32>, vector<1000x128xf32> -> vector<1000x128xf32>
    %add3A_325 = arith.addf %dot_general3A_317, %dot_general3A_324 : vector<1000x128xf32>
    %reduce_sum3A_326 = arith.constant dense<0.000000e+00> : vector<1000xf32>
    %reduce_sum3A_327 = vector.multi_reduction <add>, %slice3A_304, %reduce_sum3A_326 [1] : vector<1000x16xf32> to vector<1000xf32>
    %broadcast_in_dim3A_328 = vector.shape_cast %reduce_sum3A_327 : vector<1000xf32> to vector<1000x1xf32>
    %max3A_329 = arith.constant 1.000000e+00 : f32
    %max3A_330 = vector.broadcast %max3A_329 : f32 to vector<1000x1xf32>
    %max3A_331 = arith.maximumf %broadcast_in_dim3A_328, %max3A_330 : vector<1000x1xf32>
    %div3A_332 = vector.broadcast %max3A_331 : vector<1000x1xf32> to vector<1000x128xf32>
    %div3A_333 = arith.divf %add3A_325, %div3A_332 : vector<1000x128xf32>
    %swap3A_334 = arith.constant 9000 : index
    %swap3A_335 = arith.constant 0 : index
    %swap3A_336 = vector.load %arg5[%swap3A_334, %swap3A_335] : memref<10000x128xf32, #tpu.memory_space<vmem>>, vector<1000x128xf32>
    tpu.vector_store %arg5[%swap3A_334, %swap3A_335], %div3A_333 {strides = array<i32>} : memref<10000x128xf32, #tpu.memory_space<vmem>>, vector<1000x128xf32>,
    return
  }
  func.func @transform_0(%arg0: i32) -> (i32, i32, i32) {
    %c0_i32 = arith.constant 0 : i32
    %c0_i32_0 = arith.constant 0 : i32
    %c0_i32_1 = arith.constant 0 : i32
    %c0_i32_2 = arith.constant 0 : i32
    return %c0_i32, %c0_i32_0, %c0_i32_1 : i32, i32, i32
  }
  func.func @transform_1(%arg0: i32) -> (i32, i32) {
    %c0_i32 = arith.constant 0 : i32
    %c0_i32_0 = arith.constant 0 : i32
    %c0_i32_1 = arith.constant 0 : i32
    return %c0_i32, %c0_i32_0 : i32, i32
  }
  func.func @transform_2(%arg0: i32) -> (i32, i32, i32, i32) {
    %c2_i32 = arith.constant 2 : i32
    %c0_i32 = arith.constant 0 : i32
    %c0_i32_0 = arith.constant 0 : i32
    %c0_i32_1 = arith.constant 0 : i32
    %c0_i32_2 = arith.constant 0 : i32
    return %c2_i32, %c0_i32, %c0_i32_0, %c0_i32_1 : i32, i32, i32, i32
  }
  func.func @transform_3(%arg0: i32) -> (i32, i32, i32) {
    %c2_i32 = arith.constant 2 : i32
    %c0_i32 = arith.constant 0 : i32
    %c0_i32_0 = arith.constant 0 : i32
    %c0_i32_1 = arith.constant 0 : i32
    return %c2_i32, %c0_i32, %c0_i32_0 : i32, i32, i32
  }
  func.func @transform_4(%arg0: i32) -> (i32, i32) {
    %c0_i32 = arith.constant 0 : i32
    %c0_i32_0 = arith.constant 0 : i32
    %c0_i32_1 = arith.constant 0 : i32
    return %c0_i32, %c0_i32_0 : i32, i32
  }
}

</mosaic_0001>

<sc_bundles>
// kernel: kernel.4.cloned.1.call-start
scs
__scs_entry_jumppad:
0x0: {  	(pc) =	sbr.rel $0x88, $3  }
0x1: {  	(tag) =	ssettag $0x0;
	lr =	simm.s32 $0x1  }
0x2: {  	[smem:$0x3F9C] =	sst lr;
	_ =	strace $0xD0000000  }
0x3: {  	_ = 	snop  }
0x4: {  	_ = 	snop  }
0x5: {  	_ = 	snop  }
0x6: {  	_ = 	snop  }
0x7: {  	_ = 	snop  }
__scs_overlays_trampoline_lowered:
0x8: {  	[smem:$0x3FAB] =	sst s0  }
0x9: {  	[smem:$0x3FAC] =	sst s1  }
0xa: {  	[smem:$0x3FAD] =	sst s2  }
0xb: {  	[smem:$0x3FAE] =	sst s3  }
0xc: {  	[smem:$0x3FAF] =	sst s4  }
0xd: {  	[smem:$0x3FB0] =	sst s5  }
0xe: {  	[smem:$0x3FB1] =	sst s6  }
0xf: {  	[smem:$0x3FB2] =	sst s7  }
0x10: {  	[smem:$0x3FB3] =	sst s8  }
0x11: {  	[smem:$0x3FB4] =	sst s9;
	s0 =	simm.s32 @!p0 $0x0  }
0x12: {  	s1 =	sld [smem:$0x3F9A];
	s0 =	simm.s32 @p0 $0x1  }
0x13: {  	[smem:$0x3FB5] =	sst s0;
	s0 =	simm.s32 @!p1 $0x0  }
0x14: {  	s2 =	sld [smem:$0x3F99];
	s0 =	simm.s32 @p1 $0x1  }
0x15: {  	[smem:$0x3FB6] =	sst s0;
	s0 =	simm.s32 @!p2 $0x0  }
0x16: {  	s3 =	sld [smem:$0x3FDB];
	s0 =	simm.s32 @p2 $0x1  }
0x17: {  	s4 =	simm.s32 $0x1BF5;
	[smem:$0x3FB8] =	sst s0  }
0x18: {  	s0 =	sld [smem:$0x3F9B];
	_ =	swait.ge [sflag:s4], $0x0  }
0x19: {  	s7 =	sld [smem:$0x3F9C]  }
0x1a: {  	s8 =	sadd.s32 $0xFFFFE003, lr  }
0x1b: {  	s9 =	sadd.s32 $0xFFFFFEF7, lr;
	s5 =	simm.s32 $0xFFFFFFFF;
	p2 =	slt.u32 s8, $0xFFFFF086  }
0x1c: {  	p1 =	slt.u32 s9, $0xF7A;
	s5 =	simm.s32 @!p2 $0x0  }
0x1d: {  	s5 =	simm.s32 @p1 $0x1;
	p0 =	seq.s32 s7, s2  }
0x1e: {  	s7 =	smul.u32 @!p0 $0xF7A, s2;
	p2 =	seq.s32 @!p0 s5, $0x0  }
0x1f: {  	s9 =	smul.u32 $0xF7A, s1;
	s8 =	simm.s32 @!p0 $0x1BF5;
	p2 =	por !p2, p0  }
0x20: {  	[sflag:s8] =	ssyncset.s32 @!p0 $0xFFFFF086;
	s6 =	sadd.s32 @!p0 s3, s7;
	s7 =	simm.s32 @!p0 $0x108  }
0x21: {  	s3 =	sadd.s32 s3, s9;
	s6 =	sadd.s32 @!p0 $0x88, s6;
	s7 =	simm.s32 @p2 $0x1082  }
0x22: {  	[simem:s7], [sflag:s8] =	dma.local @!p0 [hbm:s6], $0xF7A  }
0x23: {  	s9 =	sor.u32 $0xD0000000, s2;
	s6 =	simm.s32 $0x108;
	_ =	swait.ge @!p0 [sflag:s8], $0x0  }
0x24: {  	s3 =	sadd.s32 $0x88, s3;
	s6 =	simm.s32 @!p1 $0x1082;
	[sflag:s4] =	ssyncset.s32 $0xFFFFF086  }
0x25: {  	[simem:s6], [sflag:s4] =	dma.local [hbm:s3], $0xF7A  }
0x26: {  	[smem:$0x3F9C] =	sst s1;
	(tag) =	ssettag s2;
	_ =	strace s9  }
0x27: {  	s1 =	sld [smem:$0x3FAC]  }
0x28: {  	s2 =	sld [smem:$0x3FAD]  }
0x29: {  	s4 =	sld [smem:$0x3FAF]  }
0x2a: {  	p0 =	seq.s32 s5, $0x0;
	s5 =	sld [smem:$0x3FB0]  }
0x2b: {  	s6 =	sld [smem:$0x3FB1]  }
0x2c: {  	s7 =	sld [smem:$0x3FB2]  }
0x2d: {  	s3 =	simm.s32 $0x108;
	s8 =	sld [smem:$0x3FB3]  }
0x2e: {  	s3 =	simm.s32 @!p0 $0x1082;
	s9 =	sld [smem:$0x3FB4]  }
0x2f: {  	lr =	sadd.s32 s0, s3;
	s0 =	sld [smem:$0x3FAB]  }
0x30: {  	s3 =	sld [smem:$0x3FAE]  }
0x31: {  	[smem:$0x3FB7] =	sst s10  }
0x32: {  	s10 =	sld [smem:$0x3FB5];
	_ =	sdelay $0x3  }
0x33: {  	p0 =	seq.s32 s10, $0x1;
	s10 =	sld [smem:$0x3FB7];
	_ =	sdelay $0x3  }
0x34: {  	[smem:$0x3FB7] =	sst s10  }
0x35: {  	s10 =	sld [smem:$0x3FB6];
	_ =	sdelay $0x3  }
0x36: {  	p1 =	seq.s32 s10, $0x1;
	s10 =	sld [smem:$0x3FB7];
	_ =	sdelay $0x3  }
0x37: {  	[smem:$0x3FB7] =	sst s10  }
0x38: {  	s10 =	sld [smem:$0x3FB8]  }
0x39: {  	_ = 	snop;
	(pc) =	sbr.ind lr, $3  }
0x3a: {  	_ = 	snop  }
0x3b: {  	_ = 	snop  }
0x3c: {  	p2 =	seq.s32 s10, $0x1;
	s10 =	sld [smem:$0x3FB7]  }
0x3d: {  	_ =	shalt  }
0x3e: {  	_ =	shalt  }
0x3f: {  	_ =	shalt  }
0x40: {  	_ =	shalt  }
0x41: {  	_ =	shalt  }
0x42: {  	_ =	shalt  }
0x43: {  	_ =	shalt  }
0x44: {  	_ =	shalt  }
0x45: {  	_ =	shalt  }
0x46: {  	_ =	shalt  }
0x47: {  	_ =	shalt  }
0x48: {  	_ =	shalt  }
0x49: {  	_ =	shalt  }
0x4a: {  	_ =	shalt  }
0x4b: {  	_ =	shalt  }
0x4c: {  	_ =	shalt  }
0x4d: {  	_ =	shalt  }
0x4e: {  	_ =	shalt  }
0x4f: {  	_ =	shalt  }
0x50: {  	_ =	shalt  }
0x51: {  	_ =	shalt  }
0x52: {  	_ =	shalt  }
0x53: {  	_ =	shalt  }
0x54: {  	_ =	shalt  }
0x55: {  	_ =	shalt  }
0x56: {  	_ =	shalt  }
0x57: {  	_ =	shalt  }
0x58: {  	_ =	shalt  }
0x59: {  	_ =	shalt  }
0x5a: {  	_ =	shalt  }
0x5b: {  	_ =	shalt  }
0x5c: {  	_ =	shalt  }
0x5d: {  	_ =	shalt  }
0x5e: {  	_ =	shalt  }
0x5f: {  	_ =	shalt  }
0x60: {  	_ =	shalt  }
0x61: {  	_ =	shalt  }
0x62: {  	_ =	shalt  }
0x63: {  	_ =	shalt  }
0x64: {  	_ =	shalt  }
0x65: {  	_ =	shalt  }
0x66: {  	_ =	shalt  }
0x67: {  	_ =	shalt  }
0x68: {  	_ =	shalt  }
0x69: {  	_ =	shalt  }
0x6a: {  	_ =	shalt  }
0x6b: {  	_ =	shalt  }
0x6c: {  	_ =	shalt  }
0x6d: {  	_ =	shalt  }
0x6e: {  	_ =	shalt  }
0x6f: {  	_ =	shalt  }
0x70: {  	_ =	shalt  }
0x71: {  	_ =	shalt  }
0x72: {  	_ =	shalt  }
0x73: {  	_ =	shalt  }
0x74: {  	_ =	shalt  }
0x75: {  	_ =	shalt  }
0x76: {  	_ =	shalt  }
0x77: {  	_ =	shalt  }
0x78: {  	_ =	shalt  }
0x79: {  	_ =	shalt  }
0x7a: {  	_ =	shalt  }
0x7b: {  	_ =	shalt  }
0x7c: {  	_ =	shalt  }
0x7d: {  	_ =	shalt  }
0x7e: {  	_ =	shalt  }
0x7f: {  	_ =	shalt  }
0x80: {  	_ =	shalt  }
0x81: {  	_ =	shalt  }
0x82: {  	_ =	shalt  }
0x83: {  	_ =	shalt  }
0x84: {  	_ =	shalt  }
0x85: {  	_ =	shalt  }
0x86: {  	_ =	shalt  }
0x87: {  	_ =	shalt  }
.Lfunc_end0:
.L_simem_size_0:
called_computation_lowered:
.L_overlay_start_0:
0x88: {  	s2 =	sld [smem:$0x3FD9]  }
0x89: {  	s3 =	sld [smem:$0x3FFE];
	_ =	sdelay $0x1  }
0x8a: {  	s1 =	srdreg.scid  }
0x8b: {  	s0 =	sand.u32 $0x1, s1  }
0x8c: {  	s17 =	sshll.u32 s0, $0xA;
	s2 =	sadd.s32 s3, s2  }
0x8d: {  	s2 =	sadd.s32 s2, s17  }
0x8e: {  	[smem:$0x3FC3] =	sst s2  }
0x8f: {  	_ = 	snop  }
0x90: {  	s2 =	sld [smem:$0x3FC8]  }
0x91: {  	s18 =	sld [smem:$0x3FD0];
	(tm) =	ssettm $0x1  }
0x92: {  	s4 =	sld [smem:$0x3FFB];
	_ =	sdelay $0x3  }
0x93: {  	_ =	strace s4  }
0x94: {  	s4 =	sld [smem:$0x3FFC];
	_ =	sdelay $0x3  }
0x95: {  	_ =	strace s4  }
0x96: {  	s4 =	sld [smem:$0x3FFD];
	_ =	sdelay $0x3  }
0x97: {  	_ =	strace s4  }
0x98: {  	_ =	strace $0x8FFFFFFF  }
0x99: {  	s19 =	sld [smem:$0x3FDB];
	_ =	sdelay $0x1  }
0x9a: {  	s5 =	simm.s32 $_scs_section_size  }
0x9b: {  	s6 =	simm.s32 $_size__tile_overlayer_lowered;
	s7 =	simm.s32 $_tile_overlayer_lowered  }
0x9c: {  	s22 =	simm.s32 $0x1BFF;
	s21 =	sshll.u32 s7, $0x1;
	s4 =	sadd.s32 s5, s19  }
0x9d: {  	s8 =	simm.s32 $0x0;
	s20 =	sshll.u32 s6, $0x1;
	s6 =	sadd.s32 s21, s4  }
0x9e: {  	[timem:s8], [sflag:s22] =	dma.local [hbm:s6], s20  }
0x9f: {  	_ =	swait.ge [sflag:s22], s20  }
0xa0: {  	s5 =	ssub.s32 $0x0, s20;
	[sflag:s22] =	ssyncset.done $0x0  }
0xa1: {  	[sflag:s22] =	ssyncadd.s32 s5;
	_ =	sdelay $0x1  }
0xa2: {  	s23 =	simm.s32 $0x1B8B  }
0xa3: {  	_ =	swait.ge [sflag:s23], $0x1  }
0xa4: {  	[sflag:s23] =	ssyncset.done $0x0  }
0xa5: {  	s25 =	simm.s32 $0x1B8E;
	s24 =	sld [smem:$0x3FFE];
	[sflag:s23] =	ssyncadd.s32 $0xFFFFFFFF  }
0xa6: {  	s26 =	simm.s32 $execute0_lowered;
	[smem:$0x3FD2] =	sst s25  }
0xa7: {  	s6 =	sshll.u32 s26, $0x1;
	_ =	strace $0x80000046;
	[dreg:$0x1] =	wrdreg $0xFFFFFFFF  }
0xa8: {  	s28 =	simm.s32 $_size_execute0_lowered;
	s4 =	sadd.s32 s4, s6;
	[dreg:$0x0] =	wrdreg $0x0  }
0xa9: {  	s6 =	sshll.u32 s28, $0x1;
	[dreg:$0x2] =	wrdreg s4  }
0xaa: {  	[dreg:$0x3] =	wrdreg s6  }
0xab: {  	[dreg:$0x4] =	wrdreg $0xC0  }
0xac: {  	_ =	task [dreg:s8], $0x5FFFF  }
0xad: {  	[dreg:$0x1] =	wrdreg $0xFFFFFFFF  }
0xae: {  	[dreg:$0x0] =	wrdreg $0x60  }
0xaf: {  	[dreg:$0x2] =	wrdreg s18  }
0xb0: {  	[dreg:$0x3] =	wrdreg s2  }
0xb1: {  	[dreg:$0x4] =	wrdreg s24  }
0xb2: {  	[dreg:$0x5] =	wrdreg $0xC7000  }
0xb3: {  	[dreg:$0x6] =	wrdreg $0x9  }
0xb4: {  	_ =	task.clear_ibuf [dreg:s8], $0x7FFFF;
	_ =	strace $0x90000046  }
0xb5: {  	s29 =	simm.s32 $0x9;
	_ =	strace $0x80000048  }
0xb6: {  	_ =	swait.ge [sflag:s29], $0x1  }
0xb7: {  	[sflag:s29] =	ssyncadd.s32 $0xFFFFFFFF  }
0xb8: {  	_ =	strace $0x90000048  }
0xb9: {  	_ =	sfence  }
0xba: {  	s30 =	sld [smem:$0x0];
	_ =	sdelay $0x2  }
0xbb: {  	s31 =	sshll.u32 s1, $0xD;
	s1 =	sshrl.u32 s1, $0x2  }
0xbc: {  	s3 =	sand.u32 $0x4000, s31;
	s1 =	sadd.s32 s1, s30  }
0xbd: {  	s0 =	sor.u32 s3, s0;
	s1 =	sshll.u32 s1, $0x11  }
0xbe: {  	s0 =	sor.u32 s1, s0  }
0xbf: {  	s0 =	sadd.s32 $0x8F2B, s0  }
0xc0: {  	[sflag:s0] =	ssyncadd.remote.s32 $0x1  }
0xc1: {  	_ =	sfence.sel $0xFFFF  }
0xc2: {  	[dreg:$0x0] =	wrdreg $0xFFFFFFFF;
	(pc) =	sbr.abs _section_cstart, $3  }
0xc3: {  	[dreg:$0x1] =	wrdreg $0xFFFFFFFF  }
0xc4: {  	_ =	task.clear_ibuf [dreg:s8], $0x2FFFF;
	_ =	strace $0x9FFFFFFF  }
0xc5: {  	(tm) =	ssettm $0x7FFFFFFF  }
tec
execute0_lowered:
.L_overlay_start_1:
0x0: {  	(tag) =	ssettag $0x1  }
0x1: {  	s11 =	rddreg [dreg:$0x0]  }
0x2: {  	s10 =	rddreg [dreg:$0x1]  }
0x3: {  	s6 =	rddreg [dreg:$0x2]  }
0x4: {  	s2 =	rddreg [dreg:$0x3]  }
0x5: {  	s0 =	rddreg [dreg:$0x4]  }
0x6: {  	s4 =	srdreg.scid;
	s1 =	stileid.u32;
	s3 =	simm.s32 $0x0  }
0x7: {  	s18 =	simm.s32 $0x9F00;
	s19 =	simm.s32 $0x80;
	s20 =	simm.s32 $0x2780  }
0x8: {  	s21 =	simm.s32 $0x1;
	s22 =	simm.s32 $0x0;
	s7 =	sand.u32 $0x1, s4  }
0x9: {  	s8 =	smul.u32 $0x2780, s1;
	[smem:$0x7FF] =	sst s3;
	s4 =	sadd.s32 $0x1600, s6  }
0xa: {  	s5 =	sadd.s32 $0x1000, s6;
	s29 =	sshll.u32 s1, $0x6;
	s9 =	smul.u32 $0x27800, s7  }
0xb: {  	_ =	strace $0x80000047;
	s12 =	sshll.u32 s7, $0x4;
	s7 =	ssub.s32 $0x2, s7  }
0xc: {  	s16 =	sor.u32 s1, s12;
	s26 =	sshrl.u32 s7, $0x1;
	s17 =	sadd.s32 s8, s2  }
0xd: {  	s9 =	sadd.s32 s8, s9;
	s12 =	smul.u32 $0x4E, s16;
	p0 =	slt.u32 s16, $0x4  }
0xe: {  	s13 =	smin.u32 s16, $0x4;
	s15 =	ssub.s32 s7, s26;
	s9 =	sshrl.u32 s9, $0x3  }
0xf: {  	s7 =	sor.u32 $0x1C02, s29;
	s14 =	sadd.s32 s9, s6;
	s6 =	simm.s32 $0x4F  }
0x10: {  	s15 =	smax.u32 s15, $0x1;
	s28 =	sadd.s32 s13, s12;
	s6 =	simm.s32 @!p0 $0x4E  }
0x11: {  	s30 =	sshll.u32 s28, $0x4;
	s14 =	sadd.s32 $0x1C00, s14;
	p0 =	sgt.u32 s16, $0x3  }
0x12: {  	s16 =	sshrl.u32 s17, $0x3;
	s17 =	simm.s32 $0x2;
	s31 =	sadd.s32 $0x4E0, s30  }
0x13: {  	s8 =	sadd.s32 s10, s30;
	s9 =	sadd.s32 s11, s30;
	s10 =	sadd.s32 s10, s31  }
0x14: {  	s11 =	sadd.s32 s11, s31;
	s12 =	sadd.s32 $0x9C40, s9;
	s13 =	sadd.s32 $0xA120, s9  }
.LBB2_1:
0x15: {  	[spmem:s16], [sflag:s7] =	dma.local [hbm:s4], $0x4F0  }
0x16: {  	_ =	swait.ge [sflag:s17], $0x4F0  }
0x17: {  	[sflag:s17] =	ssyncset.done $0x0  }
0x18: {  	[sflag:s17] =	ssyncadd.s32 $0xFFFFFB10  }
0x19: {  	[tilespmem:s18], [sflag:$0x2] =	stream.linear.gather [hbm4b:s5+s3], $0x2700, $0x38;
	[tilespmem:$0xEE80] =	vst v63  }
0x1a: {  	_ =	swait.ge [sflag:s17], $0x2700  }
0x1b: {  	[sflag:s17] =	ssyncset.done $0x0  }
0x1c: {  	[sflag:s17] =	ssyncadd.s32 $0xFFFFD900  }
0x1d: {  	[tilespmem:s3], [sflag:$0x2] =	stream.linear.gather [hbm4b:s8+s3], $0x2700, $0x38;
	[tilespmem:$0xEE80] =	vst v63  }
0x1e: {  	_ =	swait.ge [sflag:s17], $0x2700  }
0x1f: {  	[sflag:s17] =	ssyncset.done $0x0  }
0x20: {  	s23 =	simm.s32 @p0 $0x0;
	s24 =	simm.s32 @p0 $0x2780;
	[sflag:s17] =	ssyncadd.s32 $0xFFFFD900  }
0x21: {  	[tilespmem:s24], [sflag:$0x2] =	stream.linear.gather @p0 [hbm4b:s9+s23], $0x2700, $0x38;
	[tilespmem:$0xEE80] =	vst v63  }
0x22: {  	s23 =	simm.s32 @p0 $0x2  }
0x23: {  	_ =	swait.ge @p0 [sflag:s23], $0x2700  }
0x24: {  	[sflag:s23] =	ssyncset.done @p0 $0x0  }
0x25: {  	s24 =	simm.s32 @!p0 $0x2700;
	[sflag:s23] =	ssyncadd.s32 @p0 $0xFFFFD900;
	s23 =	simm.s32 @!p0 $0x0  }
0x26: {  	[tilespmem:s24], [sflag:$0x2] =	stream.linear.gather @!p0 [hbm4b:s10+s23], $0x80, $0x38;
	[tilespmem:$0xEE80] =	vst v63  }
0x27: {  	s24 =	simm.s32 @!p0 $0x2  }
0x28: {  	_ =	swait.ge @!p0 [sflag:s24], $0x80  }
0x29: {  	[sflag:s24] =	ssyncset.done @!p0 $0x0  }
0x2a: {  	s25 =	simm.s32 @!p0 $0x2780;
	[sflag:s24] =	ssyncadd.s32 @!p0 $0xFFFFFF80  }
0x2b: {  	[tilespmem:s25], [sflag:$0x2] =	stream.linear.gather @!p0 [hbm4b:s9+s23], $0x2700, $0x38;
	[tilespmem:$0xEE80] =	vst v63  }
0x2c: {  	_ =	swait.ge @!p0 [sflag:s24], $0x2700  }
0x2d: {  	[sflag:s24] =	ssyncset.done @!p0 $0x0  }
0x2e: {  	s25 =	simm.s32 @!p0 $0x4E80;
	[sflag:s24] =	ssyncadd.s32 @!p0 $0xFFFFD900  }
0x2f: {  	[tilespmem:s25], [sflag:$0x2] =	stream.linear.gather @!p0 [hbm4b:s11+s23], $0x80, $0x38;
	[tilespmem:$0xEE80] =	vst v63  }
0x30: {  	_ =	swait.ge @!p0 [sflag:s24], $0x80  }
0x31: {  	[sflag:s24] =	ssyncset.done @!p0 $0x0  }
0x32: {  	s23 =	simm.s32 $0x40;
	[sflag:s24] =	ssyncadd.s32 @!p0 $0xFFFFFF80  }
0x33: {  	v0 =	vld [tilespmem:s23+$0xFFFFFFC0]  }
0x34: {  	s24 =	simm.s32 $0x27C0  }
0x35: {  	v1 =	vld [tilespmem:s24+$0xFFFFFFC0];
	_ =	sdelay $0x2  }
0x36: {  	v0 =	vmul.u32 $0x2780, v0;
	_ =	sdelay $0x1  }
0x37: {  	s25 =	simm.s32 $0x4F40;
	v0 =	vadd.s32 v1, v0  }
0x38: {  	[tilespmem:s25+$0xFFFFFFC0] =	vst v0  }
0x39: {  	v0 =	vld [tilespmem:s23+$0xFFFFFFD0];
	_ =	sdelay $0x1  }
0x3a: {  	v1 =	vld [tilespmem:s24+$0xFFFFFFD0];
	_ =	sdelay $0x2  }
0x3b: {  	v0 =	vmul.u32 $0x2780, v0;
	_ =	sdelay $0x1  }
0x3c: {  	v0 =	vadd.s32 v1, v0  }
0x3d: {  	[tilespmem:s25+$0xFFFFFFD0] =	vst v0  }
0x3e: {  	v0 =	vld [tilespmem:s23+$0xFFFFFFE0];
	_ =	sdelay $0x1  }
0x3f: {  	v1 =	vld [tilespmem:s24+$0xFFFFFFE0];
	_ =	sdelay $0x2  }
0x40: {  	v0 =	vmul.u32 $0x2780, v0;
	_ =	sdelay $0x1  }
0x41: {  	v0 =	vadd.s32 v1, v0  }
0x42: {  	[tilespmem:s25+$0xFFFFFFE0] =	vst v0  }
0x43: {  	v0 =	vld [tilespmem:s23+$0xFFFFFFF0];
	_ =	sdelay $0x1  }
0x44: {  	v1 =	vld [tilespmem:s24+$0xFFFFFFF0];
	_ =	sdelay $0x2  }
0x45: {  	v0 =	vmul.u32 $0x2780, v0;
	_ =	sdelay $0x1  }
0x46: {  	v0 =	vadd.s32 v1, v0  }
0x47: {  	[tilespmem:s25+$0xFFFFFFF0] =	vst v0  }
0x48: {  	v0 =	vld [tilespmem:s23+$0x0];
	_ =	sdelay $0x1  }
0x49: {  	v1 =	vld [tilespmem:s24+$0x0];
	_ =	sdelay $0x2  }
0x4a: {  	v0 =	vmul.u32 $0x2780, v0;
	_ =	sdelay $0x1  }
0x4b: {  	v0 =	vadd.s32 v1, v0  }
0x4c: {  	[tilespmem:s25+$0x0] =	vst v0  }
0x4d: {  	v0 =	vld [tilespmem:s23+$0x10];
	_ =	sdelay $0x1  }
0x4e: {  	v1 =	vld [tilespmem:s24+$0x10];
	_ =	sdelay $0x2  }
0x4f: {  	v0 =	vmul.u32 $0x2780, v0;
	_ =	sdelay $0x1  }
0x50: {  	v0 =	vadd.s32 v1, v0  }
0x51: {  	[tilespmem:s25+$0x10] =	vst v0  }
0x52: {  	v0 =	vld [tilespmem:s23+$0x20];
	_ =	sdelay $0x1  }
0x53: {  	v1 =	vld [tilespmem:s24+$0x20];
	_ =	sdelay $0x2  }
0x54: {  	v0 =	vmul.u32 $0x2780, v0;
	_ =	sdelay $0x1  }
0x55: {  	v0 =	vadd.s32 v1, v0  }
0x56: {  	[tilespmem:s25+$0x20] =	vst v0  }
0x57: {  	v0 =	vld [tilespmem:s23+$0x30];
	_ =	sdelay $0x1  }
0x58: {  	p1 =	sne.s32 s6, $0x1;
	v1 =	vld [tilespmem:s24+$0x30]  }
.Ltmp0:
0x59: {  	_ = 	snop;
	(pc) =	sbr.rel @!p1 .LBB2_3-.Ltmp0, $3  }
0x5a: {  	_ = 	snop  }
0x5b: {  	v0 =	vmul.u32 $0x2780, v0;
	_ =	sdelay $0x1  }
0x5c: {  	s26 =	sadd.s32 $0xFFFFFFFF, s6;
	v0 =	vadd.s32 v1, v0  }
.LBB2_2:
0x5d: {  	[tilespmem:s25+$0x30] =	vst v0;
	s25 =	sadd.s32 $0x80, s25;
	s23 =	sadd.s32 $0x80, s23;
	s24 =	sadd.s32 $0x80, s24  }
0x5e: {  	p2 =	sne.s32 s26, $0x1;
	s26 =	sadd.s32 $0xFFFFFFFF, s26;
	v0 =	vld [tilespmem:s23+$0xFFFFFFC0];
	_ =	sdelay $0x1  }
0x5f: {  	v1 =	vld [tilespmem:s24+$0xFFFFFFC0];
	_ =	sdelay $0x2  }
0x60: {  	v0 =	vmul.u32 $0x2780, v0;
	_ =	sdelay $0x1  }
0x61: {  	v0 =	vadd.s32 v1, v0  }
0x62: {  	[tilespmem:s25+$0xFFFFFFC0] =	vst v0  }
0x63: {  	v0 =	vld [tilespmem:s23+$0xFFFFFFD0];
	_ =	sdelay $0x1  }
0x64: {  	v1 =	vld [tilespmem:s24+$0xFFFFFFD0];
	_ =	sdelay $0x2  }
0x65: {  	v0 =	vmul.u32 $0x2780, v0;
	_ =	sdelay $0x1  }
0x66: {  	v0 =	vadd.s32 v1, v0  }
0x67: {  	[tilespmem:s25+$0xFFFFFFD0] =	vst v0  }
0x68: {  	v0 =	vld [tilespmem:s23+$0xFFFFFFE0];
	_ =	sdelay $0x1  }
0x69: {  	v1 =	vld [tilespmem:s24+$0xFFFFFFE0];
	_ =	sdelay $0x2  }
0x6a: {  	v0 =	vmul.u32 $0x2780, v0;
	_ =	sdelay $0x1  }
0x6b: {  	v0 =	vadd.s32 v1, v0  }
0x6c: {  	[tilespmem:s25+$0xFFFFFFE0] =	vst v0  }
0x6d: {  	v0 =	vld [tilespmem:s23+$0xFFFFFFF0];
	_ =	sdelay $0x1  }
0x6e: {  	v1 =	vld [tilespmem:s24+$0xFFFFFFF0];
	_ =	sdelay $0x2  }
0x6f: {  	v0 =	vmul.u32 $0x2780, v0;
	_ =	sdelay $0x1  }
0x70: {  	v0 =	vadd.s32 v1, v0  }
0x71: {  	[tilespmem:s25+$0xFFFFFFF0] =	vst v0  }
0x72: {  	v0 =	vld [tilespmem:s23+$0x0];
	_ =	sdelay $0x1  }
0x73: {  	v1 =	vld [tilespmem:s24+$0x0];
	_ =	sdelay $0x2  }
0x74: {  	v0 =	vmul.u32 $0x2780, v0;
	_ =	sdelay $0x1  }
0x75: {  	v0 =	vadd.s32 v1, v0  }
0x76: {  	[tilespmem:s25+$0x0] =	vst v0  }
0x77: {  	v0 =	vld [tilespmem:s23+$0x10]  }
0x78: {  	v1 =	vld [tilespmem:s24+$0x10];
	_ =	sdelay $0x3  }
0x79: {  	v0 =	vmul.u32 $0x2780, v0;
	_ =	sdelay $0x1  }
0x7a: {  	v0 =	vadd.s32 v1, v0  }
0x7b: {  	[tilespmem:s25+$0x10] =	vst v0  }
0x7c: {  	v0 =	vld [tilespmem:s23+$0x20]  }
0x7d: {  	v1 =	vld [tilespmem:s24+$0x20];
	_ =	sdelay $0x3  }
0x7e: {  	v0 =	vmul.u32 $0x2780, v0;
	_ =	sdelay $0x1  }
0x7f: {  	v0 =	vadd.s32 v1, v0  }
0x80: {  	[tilespmem:s25+$0x20] =	vst v0  }
0x81: {  	v0 =	vld [tilespmem:s23+$0x30]  }
0x82: {  	v1 =	vld [tilespmem:s24+$0x30];
	_ =	sdelay $0x1  }
.Ltmp1:
0x83: {  	(pc) =	sbr.rel @p2 .LBB2_2-.Ltmp1, $3  }
0x84: {  	_ = 	snop  }
0x85: {  	v0 =	vmul.u32 $0x2780, v0;
	_ =	sdelay $0x1  }
0x86: {  	v0 =	vadd.s32 v1, v0  }
.LBB2_3:
.Ltmp2:
0x87: {  	(pc) =	sbr.rel @!p1 .LBB2_5-.Ltmp2, $4  }
0x88: {  	_ = 	snop  }
0x89: {  	[tilespmem:s25+$0x30] =	vst v0  }
0x8a: {  	s23 =	simm.s32 $0x4F00;
	s24 =	sadd.s32 $0xFFFFFFFF, s6;
	[bflag:$0x0] =	sbarrier.arrive $0xFFFF  }
0x8b: {  	[spmem:s2] =	stream.indirect.scatter.add.f32 [tilespmem:s18], [sflag:$0x1], $0x1, s23, s19, $0xb8;
	[tilespmem:$0xEE80] =	vst v63  }
.LBB2_4:
0x8c: {  	p2 =	sne.s32 s24, $0x1  }
.Ltmp3:
0x8d: {  	_ = 	snop;
	(pc) =	sbr.rel @p2 .LBB2_4-.Ltmp3, $3  }
0x8e: {  	_ = 	snop  }
0x8f: {  	s24 =	sadd.s32 $0xFFFFFFFF, s24;
	s23 =	sadd.s32 $0x80, s23;
	_ =	sdelay $0x1  }
0x90: {  	[spmem:s2] =	stream.indirect.scatter.add.f32 [tilespmem:s18], [sflag:$0x1], $0x1, s23, s19, $0xb8;
	[tilespmem:$0xEE80] =	vst v63  }
.LBB2_5:
0x91: {  	[tilespmem:s20], [sflag:$0x2] =	stream.linear.gather [hbm4b:s12+s3], $0x2700, $0x38;
	[tilespmem:$0xEE80] =	vst v63  }
0x92: {  	_ =	swait.ge [sflag:s17], $0x2700  }
0x93: {  	[sflag:s17] =	ssyncset.done $0x0  }
0x94: {  	s23 =	simm.s32 @!p0 $0x0;
	s24 =	simm.s32 @!p0 $0x4E80;
	[sflag:s17] =	ssyncadd.s32 $0xFFFFD900  }
0x95: {  	[tilespmem:s24], [sflag:$0x2] =	stream.linear.gather @!p0 [hbm4b:s13+s23], $0x80, $0x38;
	[tilespmem:$0xEE80] =	vst v63  }
0x96: {  	s23 =	simm.s32 @!p0 $0x2  }
0x97: {  	_ =	swait.ge @!p0 [sflag:s23], $0x80  }
0x98: {  	[sflag:s23] =	ssyncset.done @!p0 $0x0  }
0x99: {  	[sflag:s23] =	ssyncadd.s32 @!p0 $0xFFFFFF80;
	s23 =	simm.s32 $0x40  }
0x9a: {  	v0 =	vld [tilespmem:s23+$0xFFFFFFC0]  }
0x9b: {  	s24 =	simm.s32 $0x27C0  }
0x9c: {  	v1 =	vld [tilespmem:s24+$0xFFFFFFC0];
	_ =	sdelay $0x2  }
0x9d: {  	v0 =	vmul.u32 $0x2780, v0;
	_ =	sdelay $0x1  }
0x9e: {  	v0 =	vadd.s32 v0, v1  }
0x9f: {  	s25 =	simm.s32 $0x76F0;
	v0 =	vadd.s32 $0x13C00, v0  }
0xa0: {  	[tilespmem:s25+$0xFFFFFF90] =	vst v0  }
0xa1: {  	v0 =	vld [tilespmem:s23+$0xFFFFFFD0];
	_ =	sdelay $0x1  }
0xa2: {  	v1 =	vld [tilespmem:s24+$0xFFFFFFD0];
	_ =	sdelay $0x2  }
0xa3: {  	v0 =	vmul.u32 $0x2780, v0;
	_ =	sdelay $0x1  }
0xa4: {  	v0 =	vadd.s32 v0, v1  }
0xa5: {  	v0 =	vadd.s32 $0x13C00, v0  }
0xa6: {  	[tilespmem:s25+$0xFFFFFFA0] =	vst v0  }
0xa7: {  	v0 =	vld [tilespmem:s23+$0xFFFFFFE0];
	_ =	sdelay $0x1  }
0xa8: {  	v1 =	vld [tilespmem:s24+$0xFFFFFFE0];
	_ =	sdelay $0x2  }
0xa9: {  	v0 =	vmul.u32 $0x2780, v0;
	_ =	sdelay $0x1  }
0xaa: {  	v0 =	vadd.s32 v0, v1  }
0xab: {  	v0 =	vadd.s32 $0x13C00, v0  }
0xac: {  	[tilespmem:s25+$0xFFFFFFB0] =	vst v0  }
0xad: {  	v0 =	vld [tilespmem:s23+$0xFFFFFFF0];
	_ =	sdelay $0x1  }
0xae: {  	v1 =	vld [tilespmem:s24+$0xFFFFFFF0];
	_ =	sdelay $0x2  }
0xaf: {  	v0 =	vmul.u32 $0x2780, v0;
	_ =	sdelay $0x1  }
0xb0: {  	v0 =	vadd.s32 v0, v1  }
0xb1: {  	v0 =	vadd.s32 $0x13C00, v0  }
0xb2: {  	[tilespmem:s25+$0xFFFFFFC0] =	vst v0  }
0xb3: {  	v0 =	vld [tilespmem:s23+$0x0];
	_ =	sdelay $0x1  }
0xb4: {  	v1 =	vld [tilespmem:s24+$0x0];
	_ =	sdelay $0x2  }
0xb5: {  	v0 =	vmul.u32 $0x2780, v0;
	_ =	sdelay $0x1  }
0xb6: {  	v0 =	vadd.s32 v0, v1  }
0xb7: {  	v0 =	vadd.s32 $0x13C00, v0  }
0xb8: {  	[tilespmem:s25+$0xFFFFFFD0] =	vst v0  }
0xb9: {  	v0 =	vld [tilespmem:s23+$0x10];
	_ =	sdelay $0x1  }
0xba: {  	v1 =	vld [tilespmem:s24+$0x10];
	_ =	sdelay $0x2  }
0xbb: {  	v0 =	vmul.u32 $0x2780, v0;
	_ =	sdelay $0x1  }
0xbc: {  	v0 =	vadd.s32 v0, v1  }
0xbd: {  	v0 =	vadd.s32 $0x13C00, v0  }
0xbe: {  	[tilespmem:s25+$0xFFFFFFE0] =	vst v0  }
0xbf: {  	v0 =	vld [tilespmem:s23+$0x20];
	_ =	sdelay $0x1  }
0xc0: {  	v1 =	vld [tilespmem:s24+$0x20];
	_ =	sdelay $0x2  }
0xc1: {  	v0 =	vmul.u32 $0x2780, v0;
	_ =	sdelay $0x1  }
0xc2: {  	v0 =	vadd.s32 v0, v1  }
0xc3: {  	v0 =	vadd.s32 $0x13C00, v0  }
0xc4: {  	[tilespmem:s25+$0xFFFFFFF0] =	vst v0  }
0xc5: {  	v0 =	vld [tilespmem:s23+$0x30];
	_ =	sdelay $0x1  }
0xc6: {  	v1 =	vld [tilespmem:s24+$0x30];
	_ =	sdelay $0x1  }
.Ltmp4:
0xc7: {  	_ = 	snop;
	(pc) =	sbr.rel @!p1 .LBB2_7-.Ltmp4, $3  }
0xc8: {  	v0 =	vmul.u32 $0x2780, v0;
	_ =	sdelay $0x1  }
0xc9: {  	v0 =	vadd.s32 v0, v1  }
0xca: {  	s26 =	sadd.s32 $0xFFFFFFFF, s6;
	v0 =	vadd.s32 $0x13C00, v0  }
.LBB2_6:
0xcb: {  	[tilespmem:s25+$0x0] =	vst v0;
	s25 =	sadd.s32 $0x80, s25;
	s23 =	sadd.s32 $0x80, s23;
	s24 =	sadd.s32 $0x80, s24  }
0xcc: {  	p2 =	sne.s32 s26, $0x1;
	s26 =	sadd.s32 $0xFFFFFFFF, s26;
	v0 =	vld [tilespmem:s23+$0xFFFFFFC0];
	_ =	sdelay $0x1  }
0xcd: {  	v1 =	vld [tilespmem:s24+$0xFFFFFFC0];
	_ =	sdelay $0x2  }
0xce: {  	v0 =	vmul.u32 $0x2780, v0;
	_ =	sdelay $0x1  }
0xcf: {  	v0 =	vadd.s32 v0, v1  }
0xd0: {  	v0 =	vadd.s32 $0x13C00, v0  }
0xd1: {  	[tilespmem:s25+$0xFFFFFF90] =	vst v0  }
0xd2: {  	v0 =	vld [tilespmem:s23+$0xFFFFFFD0];
	_ =	sdelay $0x1  }
0xd3: {  	v1 =	vld [tilespmem:s24+$0xFFFFFFD0];
	_ =	sdelay $0x2  }
0xd4: {  	v0 =	vmul.u32 $0x2780, v0;
	_ =	sdelay $0x1  }
0xd5: {  	v0 =	vadd.s32 v0, v1  }
0xd6: {  	v0 =	vadd.s32 $0x13C00, v0  }
0xd7: {  	[tilespmem:s25+$0xFFFFFFA0] =	vst v0  }
0xd8: {  	v0 =	vld [tilespmem:s23+$0xFFFFFFE0];
	_ =	sdelay $0x1  }
0xd9: {  	v1 =	vld [tilespmem:s24+$0xFFFFFFE0];
	_ =	sdelay $0x2  }
0xda: {  	v0 =	vmul.u32 $0x2780, v0;
	_ =	sdelay $0x1  }
0xdb: {  	v0 =	vadd.s32 v0, v1  }
0xdc: {  	v0 =	vadd.s32 $0x13C00, v0  }
0xdd: {  	[tilespmem:s25+$0xFFFFFFB0] =	vst v0  }
0xde: {  	v0 =	vld [tilespmem:s23+$0xFFFFFFF0];
	_ =	sdelay $0x1  }
0xdf: {  	v1 =	vld [tilespmem:s24+$0xFFFFFFF0];
	_ =	sdelay $0x2  }
0xe0: {  	v0 =	vmul.u32 $0x2780, v0;
	_ =	sdelay $0x1  }
0xe1: {  	v0 =	vadd.s32 v0, v1  }
0xe2: {  	v0 =	vadd.s32 $0x13C00, v0  }
0xe3: {  	[tilespmem:s25+$0xFFFFFFC0] =	vst v0  }
0xe4: {  	v0 =	vld [tilespmem:s23+$0x0];
	_ =	sdelay $0x1  }
0xe5: {  	v1 =	vld [tilespmem:s24+$0x0];
	_ =	sdelay $0x2  }
0xe6: {  	v0 =	vmul.u32 $0x2780, v0;
	_ =	sdelay $0x1  }
0xe7: {  	v0 =	vadd.s32 v0, v1  }
0xe8: {  	v0 =	vadd.s32 $0x13C00, v0  }
0xe9: {  	[tilespmem:s25+$0xFFFFFFD0] =	vst v0  }
0xea: {  	v0 =	vld [tilespmem:s23+$0x10]  }
0xeb: {  	v1 =	vld [tilespmem:s24+$0x10];
	_ =	sdelay $0x3  }
0xec: {  	v0 =	vmul.u32 $0x2780, v0;
	_ =	sdelay $0x1  }
0xed: {  	v0 =	vadd.s32 v0, v1  }
0xee: {  	v0 =	vadd.s32 $0x13C00, v0  }
0xef: {  	[tilespmem:s25+$0xFFFFFFE0] =	vst v0  }
0xf0: {  	v0 =	vld [tilespmem:s23+$0x20]  }
0xf1: {  	v1 =	vld [tilespmem:s24+$0x20];
	_ =	sdelay $0x3  }
0xf2: {  	v0 =	vmul.u32 $0x2780, v0;
	_ =	sdelay $0x1  }
0xf3: {  	v0 =	vadd.s32 v0, v1  }
0xf4: {  	v0 =	vadd.s32 $0x13C00, v0  }
0xf5: {  	[tilespmem:s25+$0xFFFFFFF0] =	vst v0  }
0xf6: {  	v0 =	vld [tilespmem:s23+$0x30]  }
0xf7: {  	v1 =	vld [tilespmem:s24+$0x30];
	_ =	sdelay $0x2  }
.Ltmp5:
0xf8: {  	(pc) =	sbr.rel @p2 .LBB2_6-.Ltmp5, $3  }
0xf9: {  	v0 =	vmul.u32 $0x2780, v0;
	_ =	sdelay $0x1  }
0xfa: {  	v0 =	vadd.s32 v0, v1  }
0xfb: {  	v0 =	vadd.s32 $0x13C00, v0  }
.LBB2_7:
.Ltmp6:
0xfc: {  	(pc) =	sbr.rel @!p1 .LBB2_9-.Ltmp6, $3  }
0xfd: {  	_ =	sdelay $0x1  }
0xfe: {  	[tilespmem:s25+$0x0] =	vst v0;
	s23 =	simm.s32 $0x7680;
	s24 =	sadd.s32 $0xFFFFFFFF, s6  }
0xff: {  	[spmem:s2] =	stream.indirect.scatter.add.f32 [tilespmem:s18], [sflag:$0x1], $0x1, s23, s19, $0xb8;
	[tilespmem:$0xEE80] =	vst v63  }
.LBB2_8:
0x100: {  	p2 =	sne.s32 s24, $0x1  }
.Ltmp7:
0x101: {  	_ = 	snop;
	(pc) =	sbr.rel @p2 .LBB2_8-.Ltmp7, $3  }
0x102: {  	_ = 	snop  }
0x103: {  	s24 =	sadd.s32 $0xFFFFFFFF, s24;
	s23 =	sadd.s32 $0x80, s23;
	_ =	sdelay $0x1  }
0x104: {  	[spmem:s2] =	stream.indirect.scatter.add.f32 [tilespmem:s18], [sflag:$0x1], $0x1, s23, s19, $0xb8;
	[tilespmem:$0xEE80] =	vst v63  }
.LBB2_9:
.Ltmp8:
0x105: {  	(pc) =	sbr.rel @!p1 .LBB2_11-.Ltmp8, $3  }
0x106: {  	_ =	sdelay $0x1  }
0x107: {  	_ =	swait.ge [sflag:s21], $0x80  }
0x108: {  	s23 =	sadd.s32 $0xFFFFFFFF, s6;
	[sflag:s21] =	ssyncset.done $0x0  }
.LBB2_10:
0x109: {  	p2 =	sne.s32 s23, $0x1;
	s23 =	sadd.s32 $0xFFFFFFFF, s23;
	[sflag:s21] =	ssyncadd.s32 $0xFFFFFF80  }
.Ltmp9:
0x10a: {  	(pc) =	sbr.rel @p2 .LBB2_10-.Ltmp9, $3  }
0x10b: {  	_ =	sdelay $0x1  }
0x10c: {  	_ =	swait.ge [sflag:s21], $0x80  }
0x10d: {  	[sflag:s21] =	ssyncset.done $0x0  }
.LBB2_11:
.Ltmp10:
0x10e: {  	(pc) =	sbr.rel @!p1 .LBB2_13-.Ltmp10, $4  }
0x10f: {  	_ = 	snop  }
0x110: {  	[sflag:s21] =	ssyncadd.s32 $0xFFFFFF80  }
0x111: {  	_ =	swait.ge [sflag:s21], $0x80  }
0x112: {  	s23 =	sadd.s32 $0xFFFFFFFF, s6;
	[sflag:s21] =	ssyncset.done $0x0  }
.LBB2_12:
0x113: {  	p1 =	sne.s32 s23, $0x1;
	s23 =	sadd.s32 $0xFFFFFFFF, s23;
	[sflag:s21] =	ssyncadd.s32 $0xFFFFFF80  }
.Ltmp11:
0x114: {  	(pc) =	sbr.rel @p1 .LBB2_12-.Ltmp11, $3  }
0x115: {  	_ =	sdelay $0x1  }
0x116: {  	_ =	swait.ge [sflag:s21], $0x80  }
0x117: {  	[sflag:s21] =	ssyncset.done $0x0  }
.LBB2_13:
0x118: {  	s22 =	sadd.s32 $0x1, s22  }
0x119: {  	[sflag:s21] =	ssyncadd.s32 $0xFFFFFF80;
	p1 =	sne.s32 s22, s15  }
.Ltmp12:
0x11a: {  	[bflag:$0x0] =	sbarrier.arrive $0xFFFF;
	(pc) =	sbr.rel @p1 .LBB2_1-.Ltmp12, $4  }
0x11b: {  	[hbm:s14], [sflag:s7] =	dma.local [spmem:s16], $0x4F0  }
0x11c: {  	_ =	swait.ge [sflag:s17], $0x4F0  }
0x11d: {  	[sflag:s17] =	ssyncset.done $0x0  }
0x11e: {  	[sflag:s17] =	ssyncadd.s32 $0xFFFFFB10  }
0x11f: {  	_ =	sfence.sel $0x180000  }
0x120: {  	[bflag:$0x0] =	sbarrier.arrive $0xFFFF  }
0x121: {  	p0 =	sne.s32 s1, $0x0;
	_ =	strace $0x90000047  }
0x122: {  	s0 =	sadd.s32 @!p0 $0x100000, s0;
	[bflag:$0x2] =	sbarrier.arrive $0xFFFF  }
0x123: {  	[sflag:s0] =	ssyncadd.tile.s32 @!p0 $0x1;
	_ =	shalt  }
.Lfunc_end2:
_tile_overlayer_lowered:
.L_overlay_start_2:
0x124: {  	(tag) =	ssettag $0x2  }
0x125: {  	s0 =	rddreg [dreg:$0x0];
	s2 =	stileid.u32  }
0x126: {  	s1 =	rddreg [dreg:$0x1];
	p0 =	sne.s32 s2, $0x0  }
0x127: {  	s3 =	rddreg [dreg:$0x2];
	[bflag:$0x3] =	sbarrier.arrive $0xFFFF;
	s2 =	simm.s32 @!p0 $0x1C02  }
0x128: {  	[timem:s3], [sflag:s2] =	dma.local @!p0 [hbm:s0], s1  }
0x129: {  	s0 =	simm.s32 @!p0 $0x2  }
0x12a: {  	_ =	swait.ge @!p0 [sflag:s0], s1  }
0x12b: {  	s1 =	ssub.s32 @!p0 $0x0, s1;
	[sflag:s0] =	ssyncset.done @!p0 $0x0  }
0x12c: {  	[sflag:s0] =	ssyncadd.s32 @!p0 s1  }
0x12d: {  	[bflag:$0x3] =	sbarrier.arrive $0xFFFF  }
0x12e: {  	_ =	shalt  }

</sc_bundles>
